<compile_context>
chip_gen: v7x
topology: tpu7x:2x2x1
jax: 0.10.2.dev20260603
libtpu: 0.0.44.dev20260713+nightly
codegen_flags: <defaults>
</compile_context>

<pallas_src>
import functools
import math

import jax
import jax.numpy as jnp
from jax import lax
from jax.experimental import pallas as pl
from jax.experimental.pallas import tpu as pltpu
from jax.experimental.pallas import tpu_sc as plsc

D = 16
NB = 10
RN = 100
MAX_R = 3.5
S_MAX = MAX_R * MAX_R
KTAB = 65536
TBK = 8192
SILU_NORM = 1.6790590095608847
EPS = 1e-5
SIN8 = math.sin(math.pi / 8.0)
COS8 = math.cos(math.pi / 8.0)

NC = 2
NS = 16
NW = NC * NS
CHUNK = 512


def _silu(v):
    return v * (1.0 / (1.0 + jnp.exp(-v)))



def _edge_s_kernel(ev_ref, s_ref):
    v = ev_ref[...]
    s_ref[...] = jnp.sum(v * v, axis=1)


def _edge_s(edge_vec, E):
    BE = 5120
    assert E % BE == 0
    return pl.pallas_call(
        _edge_s_kernel,
        grid=(E // BE,),
        in_specs=[pl.BlockSpec((BE, 3), lambda i: (i, 0))],
        out_specs=pl.BlockSpec((BE,), lambda i: (i,)),
        out_shape=jax.ShapeDtypeStruct((E,), jnp.float32),
    )(edge_vec)


def _table_kernel(wf1_ref, wf2_ref, tab_ref):
    k0 = pl.program_id(1) * TBK
    k = (lax.broadcasted_iota(jnp.int32, (TBK, 1), 0) + k0).astype(jnp.float32)
    s = k * (S_MAX / (KTAB - 1))
    r = jnp.sqrt(s)
    centers = (lax.broadcasted_iota(jnp.int32, (TBK, NB), 1).astype(jnp.float32)
               * (MAX_R / (NB - 1)))
    step = MAX_R / (NB - 1)
    diff = (r - centers) / step
    emb = jnp.exp(-(diff * diff)) * ((NB ** 0.5) / 1.12)
    u = 2.0 * (r / MAX_R - 1.0)
    y = (1.0 - jnp.cos(math.pi * u)) * 0.5
    y = jnp.where(u > 0.0, 0.0, y)
    y = jnp.where(u < -1.0, 1.0, y)
    h = _silu(jnp.dot(emb, wf1_ref[0], preferred_element_type=jnp.float32)
              * (1.0 / (NB ** 0.5))) * SILU_NORM
    w = jnp.dot(h, wf2_ref[0], preferred_element_type=jnp.float32) * (1.0 / (RN ** 0.5))
    tab_ref[0] = w * y * (1.0 / (32.0 ** 0.5))


def _build_tables(Wf1s, Wf2s):
    return pl.pallas_call(
        _table_kernel,
        grid=(3, KTAB // TBK),
        in_specs=[
            pl.BlockSpec((1, NB, RN), lambda l, k: (l, 0, 0)),
            pl.BlockSpec((1, RN, D), lambda l, k: (l, 0, 0)),
        ],
        out_specs=pl.BlockSpec((1, TBK, D), lambda l, k: (l, k, 0)),
        out_shape=jax.ShapeDtypeStruct((3, KTAB, D), jnp.float32),
    )(Wf1s, Wf2s)


def _pre_kernel(h_ref, wl1_ref, wsc_ref, x1_ref, sc_ref):
    h = h_ref[...]
    x1_ref[...] = jnp.dot(h, wl1_ref[...], preferred_element_type=jnp.float32) * 0.25
    sc_ref[...] = jnp.dot(h, wsc_ref[...], preferred_element_type=jnp.float32) * (SIN8 * 0.25)


def _pre(h, Wl1, Wsc, N, BN):
    return pl.pallas_call(
        _pre_kernel,
        grid=(N // BN,),
        in_specs=[
            pl.BlockSpec((BN, D), lambda i: (i, 0)),
            pl.BlockSpec((D, D), lambda i: (0, 0)),
            pl.BlockSpec((D, D), lambda i: (0, 0)),
        ],
        out_specs=[
            pl.BlockSpec((BN, D), lambda i: (i, 0)),
            pl.BlockSpec((BN, D), lambda i: (i, 0)),
        ],
        out_shape=[
            jax.ShapeDtypeStruct((N, D), jnp.float32),
            jax.ShapeDtypeStruct((N, D), jnp.float32),
        ],
    )(h, Wl1, Wsc)


def _q1_kernel(aggp_ref, sc_ref, wl2_ref, g_ref, sums_ref):
    c = sc_ref[...] + jnp.dot(aggp_ref[...], wl2_ref[...],
                              preferred_element_type=jnp.float32) * (COS8 * 0.25)
    g = _silu(c) * SILU_NORM
    g_ref[...] = g
    sg = jnp.sum(g, axis=0)
    sg2 = jnp.sum(g * g, axis=0)
    part = jnp.concatenate(
        [sg[None], sg2[None], jnp.zeros((6, D), jnp.float32)], axis=0)

    @pl.when(pl.program_id(0) == 0)
    def _():
        sums_ref[...] = jnp.zeros_like(sums_ref)

    sums_ref[...] += part


def _q1(aggp, sc, Wl2, N, BN):
    return pl.pallas_call(
        _q1_kernel,
        grid=(N // BN,),
        in_specs=[
            pl.BlockSpec((BN, D), lambda i: (i, 0)),
            pl.BlockSpec((BN, D), lambda i: (i, 0)),
            pl.BlockSpec((D, D), lambda i: (0, 0)),
        ],
        out_specs=[
            pl.BlockSpec((BN, D), lambda i: (i, 0)),
            pl.BlockSpec((8, D), lambda i: (0, 0)),
        ],
        out_shape=[
            jax.ShapeDtypeStruct((N, D), jnp.float32),
            jax.ShapeDtypeStruct((8, D), jnp.float32),
        ],
    )(aggp, sc, Wl2)


def _q2p_kernel(g_ref, hin_ref, sums_ref, bnw_ref, bnb_ref, wl1_ref, wsc_ref,
                h_ref, x1_ref, sc_ref, *, N):
    inv_n = 1.0 / N
    mean = sums_ref[0:1, :] * inv_n
    var = sums_ref[1:2, :] * inv_n - mean * mean
    rstd = lax.rsqrt(var + EPS)
    gn = (g_ref[...] - mean) * rstd * bnw_ref[...] + bnb_ref[...]
    h = gn + hin_ref[...]
    h_ref[...] = h
    x1_ref[...] = jnp.dot(h, wl1_ref[...], preferred_element_type=jnp.float32) * 0.25
    sc_ref[...] = jnp.dot(h, wsc_ref[...], preferred_element_type=jnp.float32) * (SIN8 * 0.25)


def _q2p(g, hin, sums, bnw, bnb, Wl1, Wsc, N, BN):
    return pl.pallas_call(
        functools.partial(_q2p_kernel, N=N),
        grid=(N // BN,),
        in_specs=[
            pl.BlockSpec((BN, D), lambda i: (i, 0)),
            pl.BlockSpec((BN, D), lambda i: (i, 0)),
            pl.BlockSpec((8, D), lambda i: (0, 0)),
            pl.BlockSpec((1, D), lambda i: (0, 0)),
            pl.BlockSpec((1, D), lambda i: (0, 0)),
            pl.BlockSpec((D, D), lambda i: (0, 0)),
            pl.BlockSpec((D, D), lambda i: (0, 0)),
        ],
        out_specs=[
            pl.BlockSpec((BN, D), lambda i: (i, 0)),
            pl.BlockSpec((BN, D), lambda i: (i, 0)),
            pl.BlockSpec((BN, D), lambda i: (i, 0)),
        ],
        out_shape=[
            jax.ShapeDtypeStruct((N, D), jnp.float32),
            jax.ShapeDtypeStruct((N, D), jnp.float32),
            jax.ShapeDtypeStruct((N, D), jnp.float32),
        ],
    )(g, hin, sums, bnw, bnb, Wl1, Wsc)


def _final_kernel(aggp_ref, sc_ref, wl2_ref, osum_ref, *, N):
    c = sc_ref[...] + jnp.dot(aggp_ref[...], wl2_ref[...],
                              preferred_element_type=jnp.float32) * (COS8 * 0.25)
    part = jnp.sum(c, axis=0) * (1.0 / (N ** 0.5))
    block = jnp.concatenate([part[None], jnp.zeros((7, D), jnp.float32)], axis=0)

    @pl.when(pl.program_id(0) == 0)
    def _():
        osum_ref[...] = jnp.zeros_like(osum_ref)

    osum_ref[...] += block


def _final(aggp, sc, Wl2, N, BN):
    return pl.pallas_call(
        functools.partial(_final_kernel, N=N),
        grid=(N // BN,),
        in_specs=[
            pl.BlockSpec((BN, D), lambda i: (i, 0)),
            pl.BlockSpec((BN, D), lambda i: (i, 0)),
            pl.BlockSpec((D, D), lambda i: (0, 0)),
        ],
        out_specs=pl.BlockSpec((8, D), lambda i: (0, 0)),
        out_shape=jax.ShapeDtypeStruct((8, D), jnp.float32),
    )(aggp, sc, Wl2)



def _sc_edge_call(N, EP):
    nchunks = EP // CHUNK
    NH = N // 2
    rpt8 = (NH // NS) & ~7
    tail_off = rpt8 * NS
    tail = NH - tail_off
    mesh = plsc.VectorSubcoreMesh(core_axis_name="c", subcore_axis_name="s")
    scale = (KTAB - 1) / S_MAX

    def body(x1_hbm, src_hbm, dst_hbm, s_hbm, tab_hbm, zero_hbm, out_hbm,
             *scratch):
        names = ("src", "dst", "s", "idx", "dstl", "tab", "xg", "ef")
        B = (dict(zip(names, scratch[0:8])), dict(zip(names, scratch[8:16])))
        agg_sh = scratch[16]
        for pi in range(2):
            B[pi]["sem_in"] = scratch[17 + 3 * pi]
            B[pi]["sem_g"] = scratch[18 + 3 * pi]
            B[pi]["sem_s"] = scratch[19 + 3 * pi]

        c = lax.axis_index("c")
        t = lax.axis_index("s")
        node_lo = c * NH

        def in_descs(ci, b):
            b0 = t * EP + ci * CHUNK
            return (
                pltpu.make_async_copy(src_hbm.at[pl.ds(b0, CHUNK)], b["src"], b["sem_in"]),
                pltpu.make_async_copy(dst_hbm.at[pl.ds(b0, CHUNK)], b["dst"], b["sem_in"]),
                pltpu.make_async_copy(s_hbm.at[pl.ds(b0, CHUNK)], b["s"], b["sem_in"]),
            )

        def gather_descs(b):
            return (
                pltpu.make_async_copy(tab_hbm.at[b["idx"]], b["tab"], b["sem_g"]),
                pltpu.make_async_copy(x1_hbm.at[b["src"]], b["xg"], b["sem_g"]),
            )

        def lane(b):
            def _lb(k, carry):
                sl = b["s"][pl.ds(k * 16, 16)]
                i = jnp.minimum((sl * scale + 0.5).astype(jnp.int32), KTAB - 1)
                loc = b["dst"][pl.ds(k * 16, 16)] - node_lo
                ok = (loc >= 0) & (loc < NH)
                b["idx"][pl.ds(k * 16, 16)] = jnp.where(ok, i, KTAB - 1)
                b["dstl"][pl.ds(k * 16, 16)] = jnp.where(ok, loc, 0)
                return carry
            lax.fori_loop(0, CHUNK // 16, _lb, 0, unroll=4)

        def row(b):
            def _rb(e, carry):
                b["ef"][e, :] = b["tab"][e, :] * b["xg"][e, :]
                return carry
            lax.fori_loop(0, CHUNK, _rb, 0, unroll=8)

        def scatter_start(b):
            pltpu.sync_copy(b["ef"], agg_sh.at[b["dstl"]], add=True)

        def scatter_wait(b):
            pass

        def step(ci, p):
            bp, bq = B[p], B[1 - p]
            for d in in_descs(ci + 1, bq):
                d.wait()
            lane(bq)
            for d in gather_descs(bq):
                d.start()
            for d in gather_descs(bp):
                d.wait()
            for d in in_descs(ci + 2, bp):
                d.start()
            row(bp)
            scatter_start(bp)

        pltpu.sync_copy(zero_hbm.at[pl.ds(t * rpt8, rpt8)],
                        agg_sh.at[pl.ds(t * rpt8, rpt8)])
        if tail:
            @pl.when(t == NS - 1)
            def _():
                pltpu.sync_copy(zero_hbm.at[pl.ds(tail_off, tail)],
                                agg_sh.at[pl.ds(tail_off, tail)])
        plsc.subcore_barrier()

        for d in in_descs(0, B[0]):
            d.start()
        for d in in_descs(1, B[1]):
            d.start()
        for d in in_descs(0, B[0]):
            d.wait()
        lane(B[0])
        for d in gather_descs(B[0]):
            d.start()

        def pair(i, carry):
            ci = 2 * i
            step(ci, 0)
            step(ci + 1, 1)
            return carry

        lax.fori_loop(0, nchunks // 2, pair, 0)

        for d in gather_descs(B[0]):
            d.wait()
        for d in in_descs(nchunks + 1, B[1]):
            d.wait()

        plsc.subcore_barrier()
        pltpu.sync_copy(agg_sh.at[pl.ds(t * rpt8, rpt8)],
                        out_hbm.at[pl.ds(node_lo + t * rpt8, rpt8)])
        if tail:
            @pl.when(t == NS - 1)
            def _():
                pltpu.sync_copy(agg_sh.at[pl.ds(tail_off, tail)],
                                out_hbm.at[pl.ds(node_lo + tail_off, tail)])

    bufset = [
        pltpu.VMEM((CHUNK,), jnp.int32),
        pltpu.VMEM((CHUNK,), jnp.int32),
        pltpu.VMEM((CHUNK,), jnp.float32),
        pltpu.VMEM((CHUNK,), jnp.int32),
        pltpu.VMEM((CHUNK,), jnp.int32),
        pltpu.VMEM((CHUNK, D), jnp.float32),
        pltpu.VMEM((CHUNK, D), jnp.float32),
        pltpu.VMEM((CHUNK, D), jnp.float32),
    ]
    return pl.kernel(
        body,
        out_type=jax.ShapeDtypeStruct((N, D), jnp.float32),
        mesh=mesh,
        compiler_params=pltpu.CompilerParams(use_tc_tiling_on_sc=False),
        scratch_types=bufset + bufset + [
            pltpu.VMEM_SHARED((N // 2, D), jnp.float32),
        ] + [pltpu.SemaphoreType.DMA] * 6,
    )



def kernel(x, pos, edge_index, edge_vec,
           W0_sc, W0_lin1, W0_fc1, W0_fc2, W0_lin2,
           W1_sc, W1_lin1, W1_fc1, W1_fc2, W1_lin2,
           W2_sc, W2_lin1, W2_fc1, W2_fc2, W2_lin2,
           bn0_w, bn0_b, bn1_w, bn1_b):
    N = x.shape[0]
    E = edge_index.shape[1]
    assert N % NS == 0
    BN = 5000
    assert N % BN == 0

    s = _edge_s(edge_vec, E)
    EPAD = E + (-E) % (2 * NS * CHUNK)
    EP = EPAD // NS
    epad = EPAD + 2 * CHUNK - E
    src = edge_index[0]
    dst = edge_index[1]
    s = jnp.concatenate([s, jnp.full((epad,), 2.0 * S_MAX, jnp.float32)])
    src = jnp.concatenate([src, jnp.zeros((epad,), jnp.int32)])
    dst = jnp.concatenate([dst, jnp.zeros((epad,), jnp.int32)])

    tables = _build_tables(jnp.stack([W0_fc1, W1_fc1, W2_fc1]),
                           jnp.stack([W0_fc2, W1_fc2, W2_fc2]))
    zero_nd = jnp.zeros((N // 2, D), jnp.float32)
    sc_edge = _sc_edge_call(N, EP)

    x1, sc0 = _pre(x, W0_lin1, W0_sc, N, BN)

    def block(carry, wl):
        h_in, x1, sc, _, _ = carry
        table_l, wl2, bnw, bnb, wnl1, wnsc = wl
        aggp = sc_edge(x1, src, dst, s, table_l, zero_nd)
        g, sums = _q1(aggp, sc, wl2, N, BN)
        h_out, x1n, scn = _q2p(g, h_in, sums, bnw, bnb, wnl1, wnsc, N, BN)
        return (h_out, x1n, scn, aggp, sc), None

    xs = (tables,
          jnp.stack([W0_lin2, W1_lin2, W2_lin2]),
          jnp.stack([bn0_w[None], bn1_w[None], bn0_w[None]]),
          jnp.stack([bn0_b[None], bn1_b[None], bn0_b[None]]),
          jnp.stack([W1_lin1, W2_lin1, W0_lin1]),
          jnp.stack([W1_sc, W2_sc, W0_sc]))
    (_, _, _, agg2, sc2), _ = lax.scan(block, (x, x1, sc0, x, x), xs)

    osum = _final(agg2, sc2, W2_lin2, N, BN)
    return osum[0:1, :]

# --- scband reference (transcript-rebuilt; emitter-appended) ---
"""Pipeline reference for scband-network-75960791597069 (READ-ONLY COPY).

The authoritative reference and input builder live on the scoring server;
editing this copy changes nothing except your own understanding.
"""

import jax, jax.numpy as jnp
import numpy as np
import math

N = 100000
E = 3200000
D = 16
NB = 10
RN = 100
MAX_R = 3.5
NUM_NEIGH = 32.0
NUM_NODES = 100000.0
SILU_NORM = 1.6790590095608847  # e3nn normalize2mom factor for silu
EPS = 1e-5

def _silu(v):
    return v * jax.nn.sigmoid(v)

def _edge_embed(edge_vec):
    r = jnp.linalg.norm(edge_vec, axis=1)
    values = jnp.linspace(0.0, MAX_R, NB)
    step = values[1] - values[0]
    diff = (r[:, None] - values[None, :]) / step
    emb = jnp.exp(-(diff ** 2)) / 1.12 * (NB ** 0.5)  # soft_one_hot_linspace gaussian * sqrt(NB)
    u = 2.0 * (r / MAX_R - 1.0)
    y = (1.0 - jnp.cos(math.pi * u)) / 2.0
    y = jnp.where(u > 0.0, 0.0, y)
    y = jnp.where(u < -1.0, 1.0, y)
    # lmax=0: spherical harmonics Y_0 = 1 under component normalization, so edge_attr = smooth_cutoff
    return emb, y[:, None]

def _conv(x, edge_src, edge_dst, edge_attr, emb, Wsc, Wl1, Wf1, Wf2, Wl2):
    h = _silu(emb @ Wf1 / (NB ** 0.5)) * SILU_NORM
    w = h @ Wf2 / (RN ** 0.5)
    x1 = x @ Wl1 / (D ** 0.5)
    ef = x1[edge_src] * edge_attr * w
    agg = jnp.zeros_like(x).at[edge_dst].add(ef) / (NUM_NEIGH ** 0.5)
    s = x @ Wsc / (D ** 0.5)
    x2 = agg @ Wl2 / (D ** 0.5)
    return math.sin(math.pi / 8.0) * s + math.cos(math.pi / 8.0) * x2

def _forward(x, edge_src, edge_dst, edge_vec, W0_sc, W0_lin1, W0_fc1, W0_fc2, W0_lin2, bn0_w, bn0_b, W1_sc, W1_lin1, W1_fc1, W1_fc2, W1_lin2, bn1_w, bn1_b, W2_sc, W2_lin1, W2_fc1, W2_fc2, W2_lin2):
    emb, edge_attr = _edge_embed(edge_vec)
    h = x
    for (Wsc, Wl1, Wf1, Wf2, Wl2, bw, bb) in ((W0_sc, W0_lin1, W0_fc1, W0_fc2, W0_lin2, bn0_w, bn0_b), (W1_sc, W1_lin1, W1_fc1, W1_fc2, W1_lin2, bn1_w, bn1_b)):
        x_in = h
        c = _conv(h, edge_src, edge_dst, edge_attr, emb, Wsc, Wl1, Wf1, Wf2, Wl2)
        g = _silu(c) * SILU_NORM  # Gate: scalar-only -> normalized silu
        mean = jnp.mean(g, axis=0)
        var = jnp.mean((g - mean) ** 2, axis=0)
        g = (g - mean) / jnp.sqrt(var + EPS) * bw + bb  # e3nn BatchNorm (training stats, scalar irreps)
        # Dropout: identity in eval mode
        h = g + x_in  # residual (shapes match)
    out = _conv(h, edge_src, edge_dst, edge_attr, emb, W2_sc, W2_lin1, W2_fc1, W2_fc2, W2_lin2)
    return jnp.sum(out, axis=0, keepdims=True) / (NUM_NODES ** 0.5)  # scatter over batch=zeros

def setup_inputs(seed: int = 0):
    key = jax.random.key(seed)
    ks = jax.random.split(key, 24)
    inp = {}
    inp["x"] = jax.random.normal(ks[0], (N, D), dtype=jnp.float32)
    inp["pos"] = jax.random.normal(ks[1], (N, 3), dtype=jnp.float32)
    inp["edge_index"] = jax.random.randint(ks[2], (2, E), 0, N, dtype=jnp.int32)
    inp["edge_vec"] = jax.random.normal(ks[3], (E, 3), dtype=jnp.float32)
    i = 4
    for l in range(3):
        inp["W%d_sc" % l] = jax.random.normal(ks[i], (D, D), dtype=jnp.float32); i += 1
        inp["W%d_lin1" % l] = jax.random.normal(ks[i], (D, D), dtype=jnp.float32); i += 1
        inp["W%d_fc1" % l] = jax.random.normal(ks[i], (NB, RN), dtype=jnp.float32); i += 1
        inp["W%d_fc2" % l] = jax.random.normal(ks[i], (RN, D), dtype=jnp.float32); i += 1
        inp["W%d_lin2" % l] = jax.random.normal(ks[i], (D, D), dtype=jnp.float32); i += 1
    for l in range(2):
        inp["bn%d_w" % l] = jnp.ones((D,), dtype=jnp.float32)
        inp["bn%d_b" % l] = jnp.zeros((D,), dtype=jnp.float32)
    return inp

def reference(x, pos, edge_index, edge_vec, W0_sc, W0_lin1, W0_fc1, W0_fc2, W0_lin2, W1_sc, W1_lin1, W1_fc1, W1_fc2, W1_lin2, W2_sc, W2_lin1, W2_fc1, W2_fc2, W2_lin2, bn0_w, bn0_b, bn1_w, bn1_b):
    edge_src = edge_index[0]
    edge_dst = edge_index[1]
    return _forward(x, edge_src, edge_dst, edge_vec, W0_sc, W0_lin1, W0_fc1, W0_fc2, W0_lin2, bn0_w, bn0_b, W1_sc, W1_lin1, W1_fc1, W1_fc2, W1_lin2, bn1_w, bn1_b, W2_sc, W2_lin1, W2_fc1, W2_fc2, W2_lin2)

if __name__ == "__main__":
    import jax
    _d = setup_inputs()
    print(jax.jit(kernel)(*tuple(_d.values())))

</pallas_src>

<mosaic_0001>
#map = affine_map<(d0, d1) -> (0, 0)>
#map1 = affine_map<(d0, d1) -> (0)>
module attributes {stable_mosaic.version = 14 : i64} {
  func.func @body(%arg0: i32, %arg1: i32, %arg2: memref<100000x16xf32, #tpu.memory_space<hbm>>, %arg3: memref<3212288xi32, #tpu.memory_space<hbm>>, %arg4: memref<3212288xi32, #tpu.memory_space<hbm>>, %arg5: memref<3212288xf32, #tpu.memory_space<hbm>>, %arg6: memref<65536x16xf32, #tpu.memory_space<hbm>>, %arg7: memref<50000x16xf32, #tpu.memory_space<hbm>>, %arg8: memref<100000x16xf32, #tpu.memory_space<hbm>>, %arg9: memref<512xi32, #tpu.memory_space<vmem>>, %arg10: memref<512xi32, #tpu.memory_space<vmem>>, %arg11: memref<512xf32, #tpu.memory_space<vmem>>, %arg12: memref<512xi32, #tpu.memory_space<vmem>>, %arg13: memref<512xi32, #tpu.memory_space<vmem>>, %arg14: memref<512x16xf32, #tpu.memory_space<vmem>>, %arg15: memref<512x16xf32, #tpu.memory_space<vmem>>, %arg16: memref<512x16xf32, #tpu.memory_space<vmem>>, %arg17: memref<512xi32, #tpu.memory_space<vmem>>, %arg18: memref<512xi32, #tpu.memory_space<vmem>>, %arg19: memref<512xf32, #tpu.memory_space<vmem>>, %arg20: memref<512xi32, #tpu.memory_space<vmem>>, %arg21: memref<512xi32, #tpu.memory_space<vmem>>, %arg22: memref<512x16xf32, #tpu.memory_space<vmem>>, %arg23: memref<512x16xf32, #tpu.memory_space<vmem>>, %arg24: memref<512x16xf32, #tpu.memory_space<vmem>>, %arg25: memref<50000x16xf32, #tpu.memory_space<vmem_shared>>, %arg26: memref<!tpu.dma_semaphore, #tpu.memory_space<semaphore_mem>>, %arg27: memref<!tpu.dma_semaphore, #tpu.memory_space<semaphore_mem>>, %arg28: memref<!tpu.dma_semaphore, #tpu.memory_space<semaphore_mem>>, %arg29: memref<!tpu.dma_semaphore, #tpu.memory_space<semaphore_mem>>, %arg30: memref<!tpu.dma_semaphore, #tpu.memory_space<semaphore_mem>>, %arg31: memref<!tpu.dma_semaphore, #tpu.memory_space<semaphore_mem>>) attributes {dimension_semantics = [#tpu.dimension_semantics<core_parallel>, #tpu.dimension_semantics<subcore_parallel>], iteration_bounds = array<i64: 2, 16>, scalar_prefetch = 0 : i64, scratch_operands = 23 : i64, tpu.core_type = #tpu.core_type<sc_vector_subcore>, window_params = [{transform_indices = #map}, {transform_indices = #map1}, {transform_indices = #map1}, {transform_indices = #map1}, {transform_indices = #map}, {transform_indices = #map}, {transform_indices = #map}]} {
    %mul3A = arith.constant 50000 : i32
    %mul3A_0 = arith.muli %arg0, %mul3A : i32
    %mul3A_1 = arith.constant 3120 : i32
    %mul3A_2 = arith.muli %arg1, %mul3A_1 : i32
    %mul3A_3 = arith.constant 3120 : i32
    %mul3A_4 = arith.muli %arg1, %mul3A_3 : i32
    "tpu.region"() ({
      %run_scoped3A = tpu.sem_alloc : memref<!tpu.dma_semaphore, #tpu.memory_space<semaphore_mem>>
      %dma_start3A_78 = arith.constant 0 : i32
      %dma_start3A_79 = tpu.memref_slice %arg25[%mul3A_4, %dma_start3A_78] : memref<50000x16xf32, #tpu.memory_space<vmem_shared>> -> memref<3120x16xf32, #tpu.memory_space<vmem_shared>>
      %dma_start3A_80 = arith.constant 0 : i32
      %dma_start3A_81 = tpu.memref_slice %arg7[%mul3A_2, %dma_start3A_80] : memref<50000x16xf32, #tpu.memory_space<hbm>> -> memref<3120x16xf32, #tpu.memory_space<hbm>>
      tpu.enqueue_dma source(%dma_start3A_81 : memref<3120x16xf32, #tpu.memory_space<hbm>>) target(%dma_start3A_79 : memref<3120x16xf32, #tpu.memory_space<vmem_shared>>) target_semaphore(%run_scoped3A : memref<!tpu.dma_semaphore, #tpu.memory_space<semaphore_mem>>)
      %dma_wait3A_82 = arith.constant 0 : i32
      %dma_wait3A_83 = tpu.memref_slice %arg25[%mul3A_4, %dma_wait3A_82] : memref<50000x16xf32, #tpu.memory_space<vmem_shared>> -> memref<3120x16xf32, #tpu.memory_space<vmem_shared>>
      %dma_wait3A_84 = arith.constant 0 : i32
      %dma_wait3A_85 = tpu.memref_slice %arg7[%mul3A_2, %dma_wait3A_84] : memref<50000x16xf32, #tpu.memory_space<hbm>> -> memref<3120x16xf32, #tpu.memory_space<hbm>>
      tpu.wait_dma2 semaphore(%run_scoped3A : memref<!tpu.dma_semaphore, #tpu.memory_space<semaphore_mem>>) src(%dma_wait3A_85 : memref<3120x16xf32, #tpu.memory_space<hbm>>) dst(%dma_wait3A_83 : memref<3120x16xf32, #tpu.memory_space<vmem_shared>>)
      tpu.yield
    }) : () -> ()
    %eq3A = arith.constant 15 : i32
    %eq3A_5 = arith.cmpi eq, %arg1, %eq3A : i32
    %convert_element_type3A = arith.extui %eq3A_5 : i1 to i32
    %cond3A = arith.constant 0 : i32
    %cond3A_6 = arith.cmpi ne, %convert_element_type3A, %cond3A : i32
    scf.if %cond3A_6 {
      "tpu.region"() ({
        %run_scoped3A = tpu.sem_alloc : memref<!tpu.dma_semaphore, #tpu.memory_space<semaphore_mem>>
        %dma_start3A_78 = arith.constant 49920 : i32
        %dma_start3A_79 = arith.constant 0 : i32
        %dma_start3A_80 = tpu.memref_slice %arg25[%dma_start3A_78, %dma_start3A_79] : memref<50000x16xf32, #tpu.memory_space<vmem_shared>> -> memref<80x16xf32, #tpu.memory_space<vmem_shared>>
        %dma_start3A_81 = arith.constant 49920 : i32
        %dma_start3A_82 = arith.constant 0 : i32
        %dma_start3A_83 = tpu.memref_slice %arg7[%dma_start3A_81, %dma_start3A_82] : memref<50000x16xf32, #tpu.memory_space<hbm>> -> memref<80x16xf32, #tpu.memory_space<hbm>>
        tpu.enqueue_dma source(%dma_start3A_83 : memref<80x16xf32, #tpu.memory_space<hbm>>) target(%dma_start3A_80 : memref<80x16xf32, #tpu.memory_space<vmem_shared>>) target_semaphore(%run_scoped3A : memref<!tpu.dma_semaphore, #tpu.memory_space<semaphore_mem>>)
        %dma_wait3A_84 = arith.constant 49920 : i32
        %dma_wait3A_85 = arith.constant 0 : i32
        %dma_wait3A_86 = tpu.memref_slice %arg25[%dma_wait3A_84, %dma_wait3A_85] : memref<50000x16xf32, #tpu.memory_space<vmem_shared>> -> memref<80x16xf32, #tpu.memory_space<vmem_shared>>
        %dma_wait3A_87 = arith.constant 49920 : i32
        %dma_wait3A_88 = arith.constant 0 : i32
        %dma_wait3A_89 = tpu.memref_slice %arg7[%dma_wait3A_87, %dma_wait3A_88] : memref<50000x16xf32, #tpu.memory_space<hbm>> -> memref<80x16xf32, #tpu.memory_space<hbm>>
        tpu.wait_dma2 semaphore(%run_scoped3A : memref<!tpu.dma_semaphore, #tpu.memory_space<semaphore_mem>>) src(%dma_wait3A_89 : memref<80x16xf32, #tpu.memory_space<hbm>>) dst(%dma_wait3A_86 : memref<80x16xf32, #tpu.memory_space<vmem_shared>>)
        tpu.yield
      }) : () -> ()
    } else {
    }
    %barrier3A = arith.constant 0 : index
    tpu.barrier barrier_id(%barrier3A)
    %mul3A_7 = arith.constant 200704 : i32
    %mul3A_8 = arith.muli %arg1, %mul3A_7 : i32
    %add3A = arith.constant 0 : i32
    %add3A_9 = arith.addi %mul3A_8, %add3A : i32
    %dma_start3A = tpu.memref_slice %arg3[%add3A_9] : memref<3212288xi32, #tpu.memory_space<hbm>> -> memref<512xi32, #tpu.memory_space<hbm>>
    %dma_start3A_10 = tpu.memref_slice %arg3[%add3A_9] : memref<3212288xi32, #tpu.memory_space<hbm>> -> memref<512xi32, #tpu.memory_space<hbm>>
    tpu.enqueue_dma source(%dma_start3A_10 : memref<512xi32, #tpu.memory_space<hbm>>) target(%arg9 : memref<512xi32, #tpu.memory_space<vmem>>) target_semaphore(%arg26 : memref<!tpu.dma_semaphore, #tpu.memory_space<semaphore_mem>>)
    %dma_start3A_11 = tpu.memref_slice %arg4[%add3A_9] : memref<3212288xi32, #tpu.memory_space<hbm>> -> memref<512xi32, #tpu.memory_space<hbm>>
    %dma_start3A_12 = tpu.memref_slice %arg4[%add3A_9] : memref<3212288xi32, #tpu.memory_space<hbm>> -> memref<512xi32, #tpu.memory_space<hbm>>
    tpu.enqueue_dma source(%dma_start3A_12 : memref<512xi32, #tpu.memory_space<hbm>>) target(%arg10 : memref<512xi32, #tpu.memory_space<vmem>>) target_semaphore(%arg26 : memref<!tpu.dma_semaphore, #tpu.memory_space<semaphore_mem>>)
    %dma_start3A_13 = tpu.memref_slice %arg5[%add3A_9] : memref<3212288xf32, #tpu.memory_space<hbm>> -> memref<512xf32, #tpu.memory_space<hbm>>
    %dma_start3A_14 = tpu.memref_slice %arg5[%add3A_9] : memref<3212288xf32, #tpu.memory_space<hbm>> -> memref<512xf32, #tpu.memory_space<hbm>>
    tpu.enqueue_dma source(%dma_start3A_14 : memref<512xf32, #tpu.memory_space<hbm>>) target(%arg11 : memref<512xf32, #tpu.memory_space<vmem>>) target_semaphore(%arg26 : memref<!tpu.dma_semaphore, #tpu.memory_space<semaphore_mem>>)
    %mul3A_15 = arith.constant 200704 : i32
    %mul3A_16 = arith.muli %arg1, %mul3A_15 : i32
    %add3A_17 = arith.constant 512 : i32
    %add3A_18 = arith.addi %mul3A_16, %add3A_17 : i32
    %dma_start3A_19 = tpu.memref_slice %arg3[%add3A_18] : memref<3212288xi32, #tpu.memory_space<hbm>> -> memref<512xi32, #tpu.memory_space<hbm>>
    %dma_start3A_20 = tpu.memref_slice %arg3[%add3A_18] : memref<3212288xi32, #tpu.memory_space<hbm>> -> memref<512xi32, #tpu.memory_space<hbm>>
    tpu.enqueue_dma source(%dma_start3A_20 : memref<512xi32, #tpu.memory_space<hbm>>) target(%arg17 : memref<512xi32, #tpu.memory_space<vmem>>) target_semaphore(%arg29 : memref<!tpu.dma_semaphore, #tpu.memory_space<semaphore_mem>>)
    %dma_start3A_21 = tpu.memref_slice %arg4[%add3A_18] : memref<3212288xi32, #tpu.memory_space<hbm>> -> memref<512xi32, #tpu.memory_space<hbm>>
    %dma_start3A_22 = tpu.memref_slice %arg4[%add3A_18] : memref<3212288xi32, #tpu.memory_space<hbm>> -> memref<512xi32, #tpu.memory_space<hbm>>
    tpu.enqueue_dma source(%dma_start3A_22 : memref<512xi32, #tpu.memory_space<hbm>>) target(%arg18 : memref<512xi32, #tpu.memory_space<vmem>>) target_semaphore(%arg29 : memref<!tpu.dma_semaphore, #tpu.memory_space<semaphore_mem>>)
    %dma_start3A_23 = tpu.memref_slice %arg5[%add3A_18] : memref<3212288xf32, #tpu.memory_space<hbm>> -> memref<512xf32, #tpu.memory_space<hbm>>
    %dma_start3A_24 = tpu.memref_slice %arg5[%add3A_18] : memref<3212288xf32, #tpu.memory_space<hbm>> -> memref<512xf32, #tpu.memory_space<hbm>>
    tpu.enqueue_dma source(%dma_start3A_24 : memref<512xf32, #tpu.memory_space<hbm>>) target(%arg19 : memref<512xf32, #tpu.memory_space<vmem>>) target_semaphore(%arg29 : memref<!tpu.dma_semaphore, #tpu.memory_space<semaphore_mem>>)
    %mul3A_25 = arith.constant 200704 : i32
    %mul3A_26 = arith.muli %arg1, %mul3A_25 : i32
    %add3A_27 = arith.constant 0 : i32
    %add3A_28 = arith.addi %mul3A_26, %add3A_27 : i32
    %dma_wait3A = tpu.memref_slice %arg3[%add3A_28] : memref<3212288xi32, #tpu.memory_space<hbm>> -> memref<512xi32, #tpu.memory_space<hbm>>
    %dma_wait3A_29 = tpu.memref_slice %arg3[%add3A_28] : memref<3212288xi32, #tpu.memory_space<hbm>> -> memref<512xi32, #tpu.memory_space<hbm>>
    tpu.wait_dma2 semaphore(%arg26 : memref<!tpu.dma_semaphore, #tpu.memory_space<semaphore_mem>>) src(%dma_wait3A_29 : memref<512xi32, #tpu.memory_space<hbm>>) dst(%arg9 : memref<512xi32, #tpu.memory_space<vmem>>)
    %dma_wait3A_30 = tpu.memref_slice %arg4[%add3A_28] : memref<3212288xi32, #tpu.memory_space<hbm>> -> memref<512xi32, #tpu.memory_space<hbm>>
    %dma_wait3A_31 = tpu.memref_slice %arg4[%add3A_28] : memref<3212288xi32, #tpu.memory_space<hbm>> -> memref<512xi32, #tpu.memory_space<hbm>>
    tpu.wait_dma2 semaphore(%arg26 : memref<!tpu.dma_semaphore, #tpu.memory_space<semaphore_mem>>) src(%dma_wait3A_31 : memref<512xi32, #tpu.memory_space<hbm>>) dst(%arg10 : memref<512xi32, #tpu.memory_space<vmem>>)
    %dma_wait3A_32 = tpu.memref_slice %arg5[%add3A_28] : memref<3212288xf32, #tpu.memory_space<hbm>> -> memref<512xf32, #tpu.memory_space<hbm>>
    %dma_wait3A_33 = tpu.memref_slice %arg5[%add3A_28] : memref<3212288xf32, #tpu.memory_space<hbm>> -> memref<512xf32, #tpu.memory_space<hbm>>
    tpu.wait_dma2 semaphore(%arg26 : memref<!tpu.dma_semaphore, #tpu.memory_space<semaphore_mem>>) src(%dma_wait3A_33 : memref<512xf32, #tpu.memory_space<hbm>>) dst(%arg11 : memref<512xf32, #tpu.memory_space<vmem>>)
    %scan3A = arith.constant 0 : i32
    %scan3A_34 = arith.constant 0 : i32
    %scan3A_35 = arith.constant 32 : i32
    %scan3A_36 = arith.addi %scan3A_34, %scan3A_35 : i32
    %scan3A_37 = arith.constant 4 : i32
    scf.for %scan3A_78 = %scan3A_34 to %scan3A_36 step %scan3A_37  : i32 {
      %mul3A_79 = arith.constant 16 : i32
      %mul3A_80 = arith.muli %scan3A_78, %mul3A_79 : i32
      %get3A = arith.index_cast %mul3A_80 : i32 to index
      %get3A_81 = tpu.vector_load %arg11[%get3A] {strides = array<i32>} : memref<512xf32, #tpu.memory_space<vmem>>, vector<16xf32>,
      %get3A_82 = vector.shape_cast %get3A_81 : vector<16xf32> to vector<16xf32>
      %mul3A_83 = arith.constant 5349.7959 : f32
      %mul3A_84 = vector.broadcast %mul3A_83 : f32 to vector<16xf32>
      %mul3A_85 = arith.mulf %get3A_82, %mul3A_84 : vector<16xf32>
      %add3A_86 = arith.constant 5.000000e-01 : f32
      %add3A_87 = vector.broadcast %add3A_86 : f32 to vector<16xf32>
      %add3A_88 = arith.addf %mul3A_85, %add3A_87 : vector<16xf32>
      %convert_element_type3A_89 = arith.fptosi %add3A_88 : vector<16xf32> to vector<16xi32>
      %min3A = arith.constant 65535 : i32
      %min3A_90 = vector.broadcast %min3A : i32 to vector<16xi32>
      %min3A_91 = arith.minsi %convert_element_type3A_89, %min3A_90 : vector<16xi32>
      %mul3A_92 = arith.constant 16 : i32
      %mul3A_93 = arith.muli %scan3A_78, %mul3A_92 : i32
      %get3A_94 = arith.index_cast %mul3A_93 : i32 to index
      %get3A_95 = tpu.vector_load %arg10[%get3A_94] {strides = array<i32>} : memref<512xi32, #tpu.memory_space<vmem>>, vector<16xi32>,
      %get3A_96 = vector.shape_cast %get3A_95 : vector<16xi32> to vector<16xi32>
      %sub3A = vector.broadcast %mul3A_0 : i32 to vector<16xi32>
      %sub3A_97 = arith.subi %get3A_96, %sub3A : vector<16xi32>
      %ge3A = arith.constant 0 : i32
      %ge3A_98 = vector.broadcast %ge3A : i32 to vector<16xi32>
      %ge3A_99 = arith.cmpi sge, %sub3A_97, %ge3A_98 : vector<16xi32>
      %lt3A = arith.constant 50000 : i32
      %lt3A_100 = vector.broadcast %lt3A : i32 to vector<16xi32>
      %lt3A_101 = arith.cmpi slt, %sub3A_97, %lt3A_100 : vector<16xi32>
      %and3A = arith.andi %ge3A_99, %lt3A_101 : vector<16xi1>
      %jit3A = arith.constant 65535 : i32
      %broadcast_in_dim3A = vector.broadcast %jit3A : i32 to vector<16xi32>
      %select_n3A = arith.select %and3A, %min3A_91, %broadcast_in_dim3A : vector<16xi1>, vector<16xi32>
      %mul3A_102 = arith.constant 16 : i32
      %mul3A_103 = arith.muli %scan3A_78, %mul3A_102 : i32
      %swap3A = arith.index_cast %mul3A_103 : i32 to index
      %swap3A_104 = tpu.vector_load %arg12[%swap3A] {strides = array<i32>} : memref<512xi32, #tpu.memory_space<vmem>>, vector<16xi32>,
      %swap3A_105 = vector.shape_cast %swap3A_104 : vector<16xi32> to vector<16xi32>
      %swap3A_106 = vector.shape_cast %select_n3A : vector<16xi32> to vector<16xi32>
      tpu.vector_store %arg12[%swap3A], %swap3A_106 {strides = array<i32>} : memref<512xi32, #tpu.memory_space<vmem>>, vector<16xi32>,
      %jit3A_107 = arith.constant 0 : i32
      %broadcast_in_dim3A_108 = vector.broadcast %jit3A_107 : i32 to vector<16xi32>
      %select_n3A_109 = arith.select %and3A, %sub3A_97, %broadcast_in_dim3A_108 : vector<16xi1>, vector<16xi32>
      %mul3A_110 = arith.constant 16 : i32
      %mul3A_111 = arith.muli %scan3A_78, %mul3A_110 : i32
      %swap3A_112 = arith.index_cast %mul3A_111 : i32 to index
      %swap3A_113 = tpu.vector_load %arg13[%swap3A_112] {strides = array<i32>} : memref<512xi32, #tpu.memory_space<vmem>>, vector<16xi32>,
      %swap3A_114 = vector.shape_cast %swap3A_113 : vector<16xi32> to vector<16xi32>
      %swap3A_115 = vector.shape_cast %select_n3A_109 : vector<16xi32> to vector<16xi32>
      tpu.vector_store %arg13[%swap3A_112], %swap3A_115 {strides = array<i32>} : memref<512xi32, #tpu.memory_space<vmem>>, vector<16xi32>,
      %scan3A_116 = arith.constant 1 : i32
      %scan3A_117 = arith.addi %scan3A_78, %scan3A_116 : i32
      %mul3A_118 = arith.constant 16 : i32
      %mul3A_119 = arith.muli %scan3A_117, %mul3A_118 : i32
      %get3A_120 = arith.index_cast %mul3A_119 : i32 to index
      %get3A_121 = tpu.vector_load %arg11[%get3A_120] {strides = array<i32>} : memref<512xf32, #tpu.memory_space<vmem>>, vector<16xf32>,
      %get3A_122 = vector.shape_cast %get3A_121 : vector<16xf32> to vector<16xf32>
      %mul3A_123 = arith.constant 5349.7959 : f32
      %mul3A_124 = vector.broadcast %mul3A_123 : f32 to vector<16xf32>
      %mul3A_125 = arith.mulf %get3A_122, %mul3A_124 : vector<16xf32>
      %add3A_126 = arith.constant 5.000000e-01 : f32
      %add3A_127 = vector.broadcast %add3A_126 : f32 to vector<16xf32>
      %add3A_128 = arith.addf %mul3A_125, %add3A_127 : vector<16xf32>
      %convert_element_type3A_129 = arith.fptosi %add3A_128 : vector<16xf32> to vector<16xi32>
      %min3A_130 = arith.constant 65535 : i32
      %min3A_131 = vector.broadcast %min3A_130 : i32 to vector<16xi32>
      %min3A_132 = arith.minsi %convert_element_type3A_129, %min3A_131 : vector<16xi32>
      %mul3A_133 = arith.constant 16 : i32
      %mul3A_134 = arith.muli %scan3A_117, %mul3A_133 : i32
      %get3A_135 = arith.index_cast %mul3A_134 : i32 to index
      %get3A_136 = tpu.vector_load %arg10[%get3A_135] {strides = array<i32>} : memref<512xi32, #tpu.memory_space<vmem>>, vector<16xi32>,
      %get3A_137 = vector.shape_cast %get3A_136 : vector<16xi32> to vector<16xi32>
      %sub3A_138 = vector.broadcast %mul3A_0 : i32 to vector<16xi32>
      %sub3A_139 = arith.subi %get3A_137, %sub3A_138 : vector<16xi32>
      %ge3A_140 = arith.constant 0 : i32
      %ge3A_141 = vector.broadcast %ge3A_140 : i32 to vector<16xi32>
      %ge3A_142 = arith.cmpi sge, %sub3A_139, %ge3A_141 : vector<16xi32>
      %lt3A_143 = arith.constant 50000 : i32
      %lt3A_144 = vector.broadcast %lt3A_143 : i32 to vector<16xi32>
      %lt3A_145 = arith.cmpi slt, %sub3A_139, %lt3A_144 : vector<16xi32>
      %and3A_146 = arith.andi %ge3A_142, %lt3A_145 : vector<16xi1>
      %jit3A_147 = arith.constant 65535 : i32
      %broadcast_in_dim3A_148 = vector.broadcast %jit3A_147 : i32 to vector<16xi32>
      %select_n3A_149 = arith.select %and3A_146, %min3A_132, %broadcast_in_dim3A_148 : vector<16xi1>, vector<16xi32>
      %mul3A_150 = arith.constant 16 : i32
      %mul3A_151 = arith.muli %scan3A_117, %mul3A_150 : i32
      %swap3A_152 = arith.index_cast %mul3A_151 : i32 to index
      %swap3A_153 = tpu.vector_load %arg12[%swap3A_152] {strides = array<i32>} : memref<512xi32, #tpu.memory_space<vmem>>, vector<16xi32>,
      %swap3A_154 = vector.shape_cast %swap3A_153 : vector<16xi32> to vector<16xi32>
      %swap3A_155 = vector.shape_cast %select_n3A_149 : vector<16xi32> to vector<16xi32>
      tpu.vector_store %arg12[%swap3A_152], %swap3A_155 {strides = array<i32>} : memref<512xi32, #tpu.memory_space<vmem>>, vector<16xi32>,
      %jit3A_156 = arith.constant 0 : i32
      %broadcast_in_dim3A_157 = vector.broadcast %jit3A_156 : i32 to vector<16xi32>
      %select_n3A_158 = arith.select %and3A_146, %sub3A_139, %broadcast_in_dim3A_157 : vector<16xi1>, vector<16xi32>
      %mul3A_159 = arith.constant 16 : i32
      %mul3A_160 = arith.muli %scan3A_117, %mul3A_159 : i32
      %swap3A_161 = arith.index_cast %mul3A_160 : i32 to index
      %swap3A_162 = tpu.vector_load %arg13[%swap3A_161] {strides = array<i32>} : memref<512xi32, #tpu.memory_space<vmem>>, vector<16xi32>,
      %swap3A_163 = vector.shape_cast %swap3A_162 : vector<16xi32> to vector<16xi32>
      %swap3A_164 = vector.shape_cast %select_n3A_158 : vector<16xi32> to vector<16xi32>
      tpu.vector_store %arg13[%swap3A_161], %swap3A_164 {strides = array<i32>} : memref<512xi32, #tpu.memory_space<vmem>>, vector<16xi32>,
      %scan3A_165 = arith.constant 2 : i32
      %scan3A_166 = arith.addi %scan3A_78, %scan3A_165 : i32
      %mul3A_167 = arith.constant 16 : i32
      %mul3A_168 = arith.muli %scan3A_166, %mul3A_167 : i32
      %get3A_169 = arith.index_cast %mul3A_168 : i32 to index
      %get3A_170 = tpu.vector_load %arg11[%get3A_169] {strides = array<i32>} : memref<512xf32, #tpu.memory_space<vmem>>, vector<16xf32>,
      %get3A_171 = vector.shape_cast %get3A_170 : vector<16xf32> to vector<16xf32>
      %mul3A_172 = arith.constant 5349.7959 : f32
      %mul3A_173 = vector.broadcast %mul3A_172 : f32 to vector<16xf32>
      %mul3A_174 = arith.mulf %get3A_171, %mul3A_173 : vector<16xf32>
      %add3A_175 = arith.constant 5.000000e-01 : f32
      %add3A_176 = vector.broadcast %add3A_175 : f32 to vector<16xf32>
      %add3A_177 = arith.addf %mul3A_174, %add3A_176 : vector<16xf32>
      %convert_element_type3A_178 = arith.fptosi %add3A_177 : vector<16xf32> to vector<16xi32>
      %min3A_179 = arith.constant 65535 : i32
      %min3A_180 = vector.broadcast %min3A_179 : i32 to vector<16xi32>
      %min3A_181 = arith.minsi %convert_element_type3A_178, %min3A_180 : vector<16xi32>
      %mul3A_182 = arith.constant 16 : i32
      %mul3A_183 = arith.muli %scan3A_166, %mul3A_182 : i32
      %get3A_184 = arith.index_cast %mul3A_183 : i32 to index
      %get3A_185 = tpu.vector_load %arg10[%get3A_184] {strides = array<i32>} : memref<512xi32, #tpu.memory_space<vmem>>, vector<16xi32>,
      %get3A_186 = vector.shape_cast %get3A_185 : vector<16xi32> to vector<16xi32>
      %sub3A_187 = vector.broadcast %mul3A_0 : i32 to vector<16xi32>
      %sub3A_188 = arith.subi %get3A_186, %sub3A_187 : vector<16xi32>
      %ge3A_189 = arith.constant 0 : i32
      %ge3A_190 = vector.broadcast %ge3A_189 : i32 to vector<16xi32>
      %ge3A_191 = arith.cmpi sge, %sub3A_188, %ge3A_190 : vector<16xi32>
      %lt3A_192 = arith.constant 50000 : i32
      %lt3A_193 = vector.broadcast %lt3A_192 : i32 to vector<16xi32>
      %lt3A_194 = arith.cmpi slt, %sub3A_188, %lt3A_193 : vector<16xi32>
      %and3A_195 = arith.andi %ge3A_191, %lt3A_194 : vector<16xi1>
      %jit3A_196 = arith.constant 65535 : i32
      %broadcast_in_dim3A_197 = vector.broadcast %jit3A_196 : i32 to vector<16xi32>
      %select_n3A_198 = arith.select %and3A_195, %min3A_181, %broadcast_in_dim3A_197 : vector<16xi1>, vector<16xi32>
      %mul3A_199 = arith.constant 16 : i32
      %mul3A_200 = arith.muli %scan3A_166, %mul3A_199 : i32
      %swap3A_201 = arith.index_cast %mul3A_200 : i32 to index
      %swap3A_202 = tpu.vector_load %arg12[%swap3A_201] {strides = array<i32>} : memref<512xi32, #tpu.memory_space<vmem>>, vector<16xi32>,
      %swap3A_203 = vector.shape_cast %swap3A_202 : vector<16xi32> to vector<16xi32>
      %swap3A_204 = vector.shape_cast %select_n3A_198 : vector<16xi32> to vector<16xi32>
      tpu.vector_store %arg12[%swap3A_201], %swap3A_204 {strides = array<i32>} : memref<512xi32, #tpu.memory_space<vmem>>, vector<16xi32>,
      %jit3A_205 = arith.constant 0 : i32
      %broadcast_in_dim3A_206 = vector.broadcast %jit3A_205 : i32 to vector<16xi32>
      %select_n3A_207 = arith.select %and3A_195, %sub3A_188, %broadcast_in_dim3A_206 : vector<16xi1>, vector<16xi32>
      %mul3A_208 = arith.constant 16 : i32
      %mul3A_209 = arith.muli %scan3A_166, %mul3A_208 : i32
      %swap3A_210 = arith.index_cast %mul3A_209 : i32 to index
      %swap3A_211 = tpu.vector_load %arg13[%swap3A_210] {strides = array<i32>} : memref<512xi32, #tpu.memory_space<vmem>>, vector<16xi32>,
      %swap3A_212 = vector.shape_cast %swap3A_211 : vector<16xi32> to vector<16xi32>
      %swap3A_213 = vector.shape_cast %select_n3A_207 : vector<16xi32> to vector<16xi32>
      tpu.vector_store %arg13[%swap3A_210], %swap3A_213 {strides = array<i32>} : memref<512xi32, #tpu.memory_space<vmem>>, vector<16xi32>,
      %scan3A_214 = arith.constant 3 : i32
      %scan3A_215 = arith.addi %scan3A_78, %scan3A_214 : i32
      %mul3A_216 = arith.constant 16 : i32
      %mul3A_217 = arith.muli %scan3A_215, %mul3A_216 : i32
      %get3A_218 = arith.index_cast %mul3A_217 : i32 to index
      %get3A_219 = tpu.vector_load %arg11[%get3A_218] {strides = array<i32>} : memref<512xf32, #tpu.memory_space<vmem>>, vector<16xf32>,
      %get3A_220 = vector.shape_cast %get3A_219 : vector<16xf32> to vector<16xf32>
      %mul3A_221 = arith.constant 5349.7959 : f32
      %mul3A_222 = vector.broadcast %mul3A_221 : f32 to vector<16xf32>
      %mul3A_223 = arith.mulf %get3A_220, %mul3A_222 : vector<16xf32>
      %add3A_224 = arith.constant 5.000000e-01 : f32
      %add3A_225 = vector.broadcast %add3A_224 : f32 to vector<16xf32>
      %add3A_226 = arith.addf %mul3A_223, %add3A_225 : vector<16xf32>
      %convert_element_type3A_227 = arith.fptosi %add3A_226 : vector<16xf32> to vector<16xi32>
      %min3A_228 = arith.constant 65535 : i32
      %min3A_229 = vector.broadcast %min3A_228 : i32 to vector<16xi32>
      %min3A_230 = arith.minsi %convert_element_type3A_227, %min3A_229 : vector<16xi32>
      %mul3A_231 = arith.constant 16 : i32
      %mul3A_232 = arith.muli %scan3A_215, %mul3A_231 : i32
      %get3A_233 = arith.index_cast %mul3A_232 : i32 to index
      %get3A_234 = tpu.vector_load %arg10[%get3A_233] {strides = array<i32>} : memref<512xi32, #tpu.memory_space<vmem>>, vector<16xi32>,
      %get3A_235 = vector.shape_cast %get3A_234 : vector<16xi32> to vector<16xi32>
      %sub3A_236 = vector.broadcast %mul3A_0 : i32 to vector<16xi32>
      %sub3A_237 = arith.subi %get3A_235, %sub3A_236 : vector<16xi32>
      %ge3A_238 = arith.constant 0 : i32
      %ge3A_239 = vector.broadcast %ge3A_238 : i32 to vector<16xi32>
      %ge3A_240 = arith.cmpi sge, %sub3A_237, %ge3A_239 : vector<16xi32>
      %lt3A_241 = arith.constant 50000 : i32
      %lt3A_242 = vector.broadcast %lt3A_241 : i32 to vector<16xi32>
      %lt3A_243 = arith.cmpi slt, %sub3A_237, %lt3A_242 : vector<16xi32>
      %and3A_244 = arith.andi %ge3A_240, %lt3A_243 : vector<16xi1>
      %jit3A_245 = arith.constant 65535 : i32
      %broadcast_in_dim3A_246 = vector.broadcast %jit3A_245 : i32 to vector<16xi32>
      %select_n3A_247 = arith.select %and3A_244, %min3A_230, %broadcast_in_dim3A_246 : vector<16xi1>, vector<16xi32>
      %mul3A_248 = arith.constant 16 : i32
      %mul3A_249 = arith.muli %scan3A_215, %mul3A_248 : i32
      %swap3A_250 = arith.index_cast %mul3A_249 : i32 to index
      %swap3A_251 = tpu.vector_load %arg12[%swap3A_250] {strides = array<i32>} : memref<512xi32, #tpu.memory_space<vmem>>, vector<16xi32>,
      %swap3A_252 = vector.shape_cast %swap3A_251 : vector<16xi32> to vector<16xi32>
      %swap3A_253 = vector.shape_cast %select_n3A_247 : vector<16xi32> to vector<16xi32>
      tpu.vector_store %arg12[%swap3A_250], %swap3A_253 {strides = array<i32>} : memref<512xi32, #tpu.memory_space<vmem>>, vector<16xi32>,
      %jit3A_254 = arith.constant 0 : i32
      %broadcast_in_dim3A_255 = vector.broadcast %jit3A_254 : i32 to vector<16xi32>
      %select_n3A_256 = arith.select %and3A_244, %sub3A_237, %broadcast_in_dim3A_255 : vector<16xi1>, vector<16xi32>
      %mul3A_257 = arith.constant 16 : i32
      %mul3A_258 = arith.muli %scan3A_215, %mul3A_257 : i32
      %swap3A_259 = arith.index_cast %mul3A_258 : i32 to index
      %swap3A_260 = tpu.vector_load %arg13[%swap3A_259] {strides = array<i32>} : memref<512xi32, #tpu.memory_space<vmem>>, vector<16xi32>,
      %swap3A_261 = vector.shape_cast %swap3A_260 : vector<16xi32> to vector<16xi32>
      %swap3A_262 = vector.shape_cast %select_n3A_256 : vector<16xi32> to vector<16xi32>
      tpu.vector_store %arg13[%swap3A_259], %swap3A_262 {strides = array<i32>} : memref<512xi32, #tpu.memory_space<vmem>>, vector<16xi32>,
    }
    %scan3A_38 = arith.constant 32 : i32
    %dma_start3A_39 = arith.constant 0 : i32
    %dma_start3A_40 = arith.constant 0 : i32
    %dma_start3A_41 = tpu.memref_slice %arg6[%dma_start3A_39, %dma_start3A_40] : memref<65536x16xf32, #tpu.memory_space<hbm>> -> memref<65536x16xf32, #tpu.memory_space<hbm>>
    tpu.enqueue_indirect_dma source(%dma_start3A_41 : memref<65536x16xf32, #tpu.memory_space<hbm>>) target(%arg14 : memref<512x16xf32, #tpu.memory_space<vmem>>) offsets(%arg12 : memref<512xi32, #tpu.memory_space<vmem>>) semaphore(%arg27 : memref<!tpu.dma_semaphore, #tpu.memory_space<semaphore_mem>>)
    %dma_start3A_42 = arith.constant 0 : i32
    %dma_start3A_43 = arith.constant 0 : i32
    %dma_start3A_44 = tpu.memref_slice %arg2[%dma_start3A_42, %dma_start3A_43] : memref<100000x16xf32, #tpu.memory_space<hbm>> -> memref<100000x16xf32, #tpu.memory_space<hbm>>
    tpu.enqueue_indirect_dma source(%dma_start3A_44 : memref<100000x16xf32, #tpu.memory_space<hbm>>) target(%arg15 : memref<512x16xf32, #tpu.memory_space<vmem>>) offsets(%arg9 : memref<512xi32, #tpu.memory_space<vmem>>) semaphore(%arg27 : memref<!tpu.dma_semaphore, #tpu.memory_space<semaphore_mem>>)
    %scan3A_45 = arith.constant 0 : i32
    %scan3A_46 = arith.constant 0 : i32
    %scan3A_47 = arith.constant 196 : i32
    %scan3A_48 = arith.addi %scan3A_46, %scan3A_47 : i32
    %scan3A_49 = arith.constant 1 : i32
    scf.for %scan3A_78 = %scan3A_46 to %scan3A_48 step %scan3A_49  : i32 {
      %mul3A_79 = arith.constant 2 : i32
      %mul3A_80 = arith.muli %mul3A_79, %scan3A_78 : i32
      %add3A_81 = arith.constant 1 : i32
      %add3A_82 = arith.addi %mul3A_80, %add3A_81 : i32
      %mul3A_83 = arith.constant 200704 : i32
      %mul3A_84 = arith.muli %arg1, %mul3A_83 : i32
      %mul3A_85 = arith.constant 512 : i32
      %mul3A_86 = arith.muli %add3A_82, %mul3A_85 : i32
      %add3A_87 = arith.addi %mul3A_84, %mul3A_86 : i32
      %dma_wait3A_88 = tpu.memref_slice %arg3[%add3A_87] : memref<3212288xi32, #tpu.memory_space<hbm>> -> memref<512xi32, #tpu.memory_space<hbm>>
      %dma_wait3A_89 = tpu.memref_slice %arg3[%add3A_87] : memref<3212288xi32, #tpu.memory_space<hbm>> -> memref<512xi32, #tpu.memory_space<hbm>>
      tpu.wait_dma2 semaphore(%arg29 : memref<!tpu.dma_semaphore, #tpu.memory_space<semaphore_mem>>) src(%dma_wait3A_89 : memref<512xi32, #tpu.memory_space<hbm>>) dst(%arg17 : memref<512xi32, #tpu.memory_space<vmem>>)
      %dma_wait3A_90 = tpu.memref_slice %arg4[%add3A_87] : memref<3212288xi32, #tpu.memory_space<hbm>> -> memref<512xi32, #tpu.memory_space<hbm>>
      %dma_wait3A_91 = tpu.memref_slice %arg4[%add3A_87] : memref<3212288xi32, #tpu.memory_space<hbm>> -> memref<512xi32, #tpu.memory_space<hbm>>
      tpu.wait_dma2 semaphore(%arg29 : memref<!tpu.dma_semaphore, #tpu.memory_space<semaphore_mem>>) src(%dma_wait3A_91 : memref<512xi32, #tpu.memory_space<hbm>>) dst(%arg18 : memref<512xi32, #tpu.memory_space<vmem>>)
      %dma_wait3A_92 = tpu.memref_slice %arg5[%add3A_87] : memref<3212288xf32, #tpu.memory_space<hbm>> -> memref<512xf32, #tpu.memory_space<hbm>>
      %dma_wait3A_93 = tpu.memref_slice %arg5[%add3A_87] : memref<3212288xf32, #tpu.memory_space<hbm>> -> memref<512xf32, #tpu.memory_space<hbm>>
      tpu.wait_dma2 semaphore(%arg29 : memref<!tpu.dma_semaphore, #tpu.memory_space<semaphore_mem>>) src(%dma_wait3A_93 : memref<512xf32, #tpu.memory_space<hbm>>) dst(%arg19 : memref<512xf32, #tpu.memory_space<vmem>>)
      %scan3A_94 = arith.constant 0 : i32
      %scan3A_95 = arith.constant 0 : i32
      %scan3A_96 = arith.constant 32 : i32
      %scan3A_97 = arith.addi %scan3A_95, %scan3A_96 : i32
      %scan3A_98 = arith.constant 4 : i32
      scf.for %scan3A_183 = %scan3A_95 to %scan3A_97 step %scan3A_98  : i32 {
        %mul3A_184 = arith.constant 16 : i32
        %mul3A_185 = arith.muli %scan3A_183, %mul3A_184 : i32
        %get3A = arith.index_cast %mul3A_185 : i32 to index
        %get3A_186 = tpu.vector_load %arg19[%get3A] {strides = array<i32>} : memref<512xf32, #tpu.memory_space<vmem>>, vector<16xf32>,
        %get3A_187 = vector.shape_cast %get3A_186 : vector<16xf32> to vector<16xf32>
        %mul3A_188 = arith.constant 5349.7959 : f32
        %mul3A_189 = vector.broadcast %mul3A_188 : f32 to vector<16xf32>
        %mul3A_190 = arith.mulf %get3A_187, %mul3A_189 : vector<16xf32>
        %add3A_191 = arith.constant 5.000000e-01 : f32
        %add3A_192 = vector.broadcast %add3A_191 : f32 to vector<16xf32>
        %add3A_193 = arith.addf %mul3A_190, %add3A_192 : vector<16xf32>
        %convert_element_type3A_194 = arith.fptosi %add3A_193 : vector<16xf32> to vector<16xi32>
        %min3A = arith.constant 65535 : i32
        %min3A_195 = vector.broadcast %min3A : i32 to vector<16xi32>
        %min3A_196 = arith.minsi %convert_element_type3A_194, %min3A_195 : vector<16xi32>
        %mul3A_197 = arith.constant 16 : i32
        %mul3A_198 = arith.muli %scan3A_183, %mul3A_197 : i32
        %get3A_199 = arith.index_cast %mul3A_198 : i32 to index
        %get3A_200 = tpu.vector_load %arg18[%get3A_199] {strides = array<i32>} : memref<512xi32, #tpu.memory_space<vmem>>, vector<16xi32>,
        %get3A_201 = vector.shape_cast %get3A_200 : vector<16xi32> to vector<16xi32>
        %sub3A = vector.broadcast %mul3A_0 : i32 to vector<16xi32>
        %sub3A_202 = arith.subi %get3A_201, %sub3A : vector<16xi32>
        %ge3A = arith.constant 0 : i32
        %ge3A_203 = vector.broadcast %ge3A : i32 to vector<16xi32>
        %ge3A_204 = arith.cmpi sge, %sub3A_202, %ge3A_203 : vector<16xi32>
        %lt3A = arith.constant 50000 : i32
        %lt3A_205 = vector.broadcast %lt3A : i32 to vector<16xi32>
        %lt3A_206 = arith.cmpi slt, %sub3A_202, %lt3A_205 : vector<16xi32>
        %and3A = arith.andi %ge3A_204, %lt3A_206 : vector<16xi1>
        %jit3A = arith.constant 65535 : i32
        %broadcast_in_dim3A = vector.broadcast %jit3A : i32 to vector<16xi32>
        %select_n3A = arith.select %and3A, %min3A_196, %broadcast_in_dim3A : vector<16xi1>, vector<16xi32>
        %mul3A_207 = arith.constant 16 : i32
        %mul3A_208 = arith.muli %scan3A_183, %mul3A_207 : i32
        %swap3A = arith.index_cast %mul3A_208 : i32 to index
        %swap3A_209 = tpu.vector_load %arg20[%swap3A] {strides = array<i32>} : memref<512xi32, #tpu.memory_space<vmem>>, vector<16xi32>,
        %swap3A_210 = vector.shape_cast %swap3A_209 : vector<16xi32> to vector<16xi32>
        %swap3A_211 = vector.shape_cast %select_n3A : vector<16xi32> to vector<16xi32>
        tpu.vector_store %arg20[%swap3A], %swap3A_211 {strides = array<i32>} : memref<512xi32, #tpu.memory_space<vmem>>, vector<16xi32>,
        %jit3A_212 = arith.constant 0 : i32
        %broadcast_in_dim3A_213 = vector.broadcast %jit3A_212 : i32 to vector<16xi32>
        %select_n3A_214 = arith.select %and3A, %sub3A_202, %broadcast_in_dim3A_213 : vector<16xi1>, vector<16xi32>
        %mul3A_215 = arith.constant 16 : i32
        %mul3A_216 = arith.muli %scan3A_183, %mul3A_215 : i32
        %swap3A_217 = arith.index_cast %mul3A_216 : i32 to index
        %swap3A_218 = tpu.vector_load %arg21[%swap3A_217] {strides = array<i32>} : memref<512xi32, #tpu.memory_space<vmem>>, vector<16xi32>,
        %swap3A_219 = vector.shape_cast %swap3A_218 : vector<16xi32> to vector<16xi32>
        %swap3A_220 = vector.shape_cast %select_n3A_214 : vector<16xi32> to vector<16xi32>
        tpu.vector_store %arg21[%swap3A_217], %swap3A_220 {strides = array<i32>} : memref<512xi32, #tpu.memory_space<vmem>>, vector<16xi32>,
        %scan3A_221 = arith.constant 1 : i32
        %scan3A_222 = arith.addi %scan3A_183, %scan3A_221 : i32
        %mul3A_223 = arith.constant 16 : i32
        %mul3A_224 = arith.muli %scan3A_222, %mul3A_223 : i32
        %get3A_225 = arith.index_cast %mul3A_224 : i32 to index
        %get3A_226 = tpu.vector_load %arg19[%get3A_225] {strides = array<i32>} : memref<512xf32, #tpu.memory_space<vmem>>, vector<16xf32>,
        %get3A_227 = vector.shape_cast %get3A_226 : vector<16xf32> to vector<16xf32>
        %mul3A_228 = arith.constant 5349.7959 : f32
        %mul3A_229 = vector.broadcast %mul3A_228 : f32 to vector<16xf32>
        %mul3A_230 = arith.mulf %get3A_227, %mul3A_229 : vector<16xf32>
        %add3A_231 = arith.constant 5.000000e-01 : f32
        %add3A_232 = vector.broadcast %add3A_231 : f32 to vector<16xf32>
        %add3A_233 = arith.addf %mul3A_230, %add3A_232 : vector<16xf32>
        %convert_element_type3A_234 = arith.fptosi %add3A_233 : vector<16xf32> to vector<16xi32>
        %min3A_235 = arith.constant 65535 : i32
        %min3A_236 = vector.broadcast %min3A_235 : i32 to vector<16xi32>
        %min3A_237 = arith.minsi %convert_element_type3A_234, %min3A_236 : vector<16xi32>
        %mul3A_238 = arith.constant 16 : i32
        %mul3A_239 = arith.muli %scan3A_222, %mul3A_238 : i32
        %get3A_240 = arith.index_cast %mul3A_239 : i32 to index
        %get3A_241 = tpu.vector_load %arg18[%get3A_240] {strides = array<i32>} : memref<512xi32, #tpu.memory_space<vmem>>, vector<16xi32>,
        %get3A_242 = vector.shape_cast %get3A_241 : vector<16xi32> to vector<16xi32>
        %sub3A_243 = vector.broadcast %mul3A_0 : i32 to vector<16xi32>
        %sub3A_244 = arith.subi %get3A_242, %sub3A_243 : vector<16xi32>
        %ge3A_245 = arith.constant 0 : i32
        %ge3A_246 = vector.broadcast %ge3A_245 : i32 to vector<16xi32>
        %ge3A_247 = arith.cmpi sge, %sub3A_244, %ge3A_246 : vector<16xi32>
        %lt3A_248 = arith.constant 50000 : i32
        %lt3A_249 = vector.broadcast %lt3A_248 : i32 to vector<16xi32>
        %lt3A_250 = arith.cmpi slt, %sub3A_244, %lt3A_249 : vector<16xi32>
        %and3A_251 = arith.andi %ge3A_247, %lt3A_250 : vector<16xi1>
        %jit3A_252 = arith.constant 65535 : i32
        %broadcast_in_dim3A_253 = vector.broadcast %jit3A_252 : i32 to vector<16xi32>
        %select_n3A_254 = arith.select %and3A_251, %min3A_237, %broadcast_in_dim3A_253 : vector<16xi1>, vector<16xi32>
        %mul3A_255 = arith.constant 16 : i32
        %mul3A_256 = arith.muli %scan3A_222, %mul3A_255 : i32
        %swap3A_257 = arith.index_cast %mul3A_256 : i32 to index
        %swap3A_258 = tpu.vector_load %arg20[%swap3A_257] {strides = array<i32>} : memref<512xi32, #tpu.memory_space<vmem>>, vector<16xi32>,
        %swap3A_259 = vector.shape_cast %swap3A_258 : vector<16xi32> to vector<16xi32>
        %swap3A_260 = vector.shape_cast %select_n3A_254 : vector<16xi32> to vector<16xi32>
        tpu.vector_store %arg20[%swap3A_257], %swap3A_260 {strides = array<i32>} : memref<512xi32, #tpu.memory_space<vmem>>, vector<16xi32>,
        %jit3A_261 = arith.constant 0 : i32
        %broadcast_in_dim3A_262 = vector.broadcast %jit3A_261 : i32 to vector<16xi32>
        %select_n3A_263 = arith.select %and3A_251, %sub3A_244, %broadcast_in_dim3A_262 : vector<16xi1>, vector<16xi32>
        %mul3A_264 = arith.constant 16 : i32
        %mul3A_265 = arith.muli %scan3A_222, %mul3A_264 : i32
        %swap3A_266 = arith.index_cast %mul3A_265 : i32 to index
        %swap3A_267 = tpu.vector_load %arg21[%swap3A_266] {strides = array<i32>} : memref<512xi32, #tpu.memory_space<vmem>>, vector<16xi32>,
        %swap3A_268 = vector.shape_cast %swap3A_267 : vector<16xi32> to vector<16xi32>
        %swap3A_269 = vector.shape_cast %select_n3A_263 : vector<16xi32> to vector<16xi32>
        tpu.vector_store %arg21[%swap3A_266], %swap3A_269 {strides = array<i32>} : memref<512xi32, #tpu.memory_space<vmem>>, vector<16xi32>,
        %scan3A_270 = arith.constant 2 : i32
        %scan3A_271 = arith.addi %scan3A_183, %scan3A_270 : i32
        %mul3A_272 = arith.constant 16 : i32
        %mul3A_273 = arith.muli %scan3A_271, %mul3A_272 : i32
        %get3A_274 = arith.index_cast %mul3A_273 : i32 to index
        %get3A_275 = tpu.vector_load %arg19[%get3A_274] {strides = array<i32>} : memref<512xf32, #tpu.memory_space<vmem>>, vector<16xf32>,
        %get3A_276 = vector.shape_cast %get3A_275 : vector<16xf32> to vector<16xf32>
        %mul3A_277 = arith.constant 5349.7959 : f32
        %mul3A_278 = vector.broadcast %mul3A_277 : f32 to vector<16xf32>
        %mul3A_279 = arith.mulf %get3A_276, %mul3A_278 : vector<16xf32>
        %add3A_280 = arith.constant 5.000000e-01 : f32
        %add3A_281 = vector.broadcast %add3A_280 : f32 to vector<16xf32>
        %add3A_282 = arith.addf %mul3A_279, %add3A_281 : vector<16xf32>
        %convert_element_type3A_283 = arith.fptosi %add3A_282 : vector<16xf32> to vector<16xi32>
        %min3A_284 = arith.constant 65535 : i32
        %min3A_285 = vector.broadcast %min3A_284 : i32 to vector<16xi32>
        %min3A_286 = arith.minsi %convert_element_type3A_283, %min3A_285 : vector<16xi32>
        %mul3A_287 = arith.constant 16 : i32
        %mul3A_288 = arith.muli %scan3A_271, %mul3A_287 : i32
        %get3A_289 = arith.index_cast %mul3A_288 : i32 to index
        %get3A_290 = tpu.vector_load %arg18[%get3A_289] {strides = array<i32>} : memref<512xi32, #tpu.memory_space<vmem>>, vector<16xi32>,
        %get3A_291 = vector.shape_cast %get3A_290 : vector<16xi32> to vector<16xi32>
        %sub3A_292 = vector.broadcast %mul3A_0 : i32 to vector<16xi32>
        %sub3A_293 = arith.subi %get3A_291, %sub3A_292 : vector<16xi32>
        %ge3A_294 = arith.constant 0 : i32
        %ge3A_295 = vector.broadcast %ge3A_294 : i32 to vector<16xi32>
        %ge3A_296 = arith.cmpi sge, %sub3A_293, %ge3A_295 : vector<16xi32>
        %lt3A_297 = arith.constant 50000 : i32
        %lt3A_298 = vector.broadcast %lt3A_297 : i32 to vector<16xi32>
        %lt3A_299 = arith.cmpi slt, %sub3A_293, %lt3A_298 : vector<16xi32>
        %and3A_300 = arith.andi %ge3A_296, %lt3A_299 : vector<16xi1>
        %jit3A_301 = arith.constant 65535 : i32
        %broadcast_in_dim3A_302 = vector.broadcast %jit3A_301 : i32 to vector<16xi32>
        %select_n3A_303 = arith.select %and3A_300, %min3A_286, %broadcast_in_dim3A_302 : vector<16xi1>, vector<16xi32>
        %mul3A_304 = arith.constant 16 : i32
        %mul3A_305 = arith.muli %scan3A_271, %mul3A_304 : i32
        %swap3A_306 = arith.index_cast %mul3A_305 : i32 to index
        %swap3A_307 = tpu.vector_load %arg20[%swap3A_306] {strides = array<i32>} : memref<512xi32, #tpu.memory_space<vmem>>, vector<16xi32>,
        %swap3A_308 = vector.shape_cast %swap3A_307 : vector<16xi32> to vector<16xi32>
        %swap3A_309 = vector.shape_cast %select_n3A_303 : vector<16xi32> to vector<16xi32>
        tpu.vector_store %arg20[%swap3A_306], %swap3A_309 {strides = array<i32>} : memref<512xi32, #tpu.memory_space<vmem>>, vector<16xi32>,
        %jit3A_310 = arith.constant 0 : i32
        %broadcast_in_dim3A_311 = vector.broadcast %jit3A_310 : i32 to vector<16xi32>
        %select_n3A_312 = arith.select %and3A_300, %sub3A_293, %broadcast_in_dim3A_311 : vector<16xi1>, vector<16xi32>
        %mul3A_313 = arith.constant 16 : i32
        %mul3A_314 = arith.muli %scan3A_271, %mul3A_313 : i32
        %swap3A_315 = arith.index_cast %mul3A_314 : i32 to index
        %swap3A_316 = tpu.vector_load %arg21[%swap3A_315] {strides = array<i32>} : memref<512xi32, #tpu.memory_space<vmem>>, vector<16xi32>,
        %swap3A_317 = vector.shape_cast %swap3A_316 : vector<16xi32> to vector<16xi32>
        %swap3A_318 = vector.shape_cast %select_n3A_312 : vector<16xi32> to vector<16xi32>
        tpu.vector_store %arg21[%swap3A_315], %swap3A_318 {strides = array<i32>} : memref<512xi32, #tpu.memory_space<vmem>>, vector<16xi32>,
        %scan3A_319 = arith.constant 3 : i32
        %scan3A_320 = arith.addi %scan3A_183, %scan3A_319 : i32
        %mul3A_321 = arith.constant 16 : i32
        %mul3A_322 = arith.muli %scan3A_320, %mul3A_321 : i32
        %get3A_323 = arith.index_cast %mul3A_322 : i32 to index
        %get3A_324 = tpu.vector_load %arg19[%get3A_323] {strides = array<i32>} : memref<512xf32, #tpu.memory_space<vmem>>, vector<16xf32>,
        %get3A_325 = vector.shape_cast %get3A_324 : vector<16xf32> to vector<16xf32>
        %mul3A_326 = arith.constant 5349.7959 : f32
        %mul3A_327 = vector.broadcast %mul3A_326 : f32 to vector<16xf32>
        %mul3A_328 = arith.mulf %get3A_325, %mul3A_327 : vector<16xf32>
        %add3A_329 = arith.constant 5.000000e-01 : f32
        %add3A_330 = vector.broadcast %add3A_329 : f32 to vector<16xf32>
        %add3A_331 = arith.addf %mul3A_328, %add3A_330 : vector<16xf32>
        %convert_element_type3A_332 = arith.fptosi %add3A_331 : vector<16xf32> to vector<16xi32>
        %min3A_333 = arith.constant 65535 : i32
        %min3A_334 = vector.broadcast %min3A_333 : i32 to vector<16xi32>
        %min3A_335 = arith.minsi %convert_element_type3A_332, %min3A_334 : vector<16xi32>
        %mul3A_336 = arith.constant 16 : i32
        %mul3A_337 = arith.muli %scan3A_320, %mul3A_336 : i32
        %get3A_338 = arith.index_cast %mul3A_337 : i32 to index
        %get3A_339 = tpu.vector_load %arg18[%get3A_338] {strides = array<i32>} : memref<512xi32, #tpu.memory_space<vmem>>, vector<16xi32>,
        %get3A_340 = vector.shape_cast %get3A_339 : vector<16xi32> to vector<16xi32>
        %sub3A_341 = vector.broadcast %mul3A_0 : i32 to vector<16xi32>
        %sub3A_342 = arith.subi %get3A_340, %sub3A_341 : vector<16xi32>
        %ge3A_343 = arith.constant 0 : i32
        %ge3A_344 = vector.broadcast %ge3A_343 : i32 to vector<16xi32>
        %ge3A_345 = arith.cmpi sge, %sub3A_342, %ge3A_344 : vector<16xi32>
        %lt3A_346 = arith.constant 50000 : i32
        %lt3A_347 = vector.broadcast %lt3A_346 : i32 to vector<16xi32>
        %lt3A_348 = arith.cmpi slt, %sub3A_342, %lt3A_347 : vector<16xi32>
        %and3A_349 = arith.andi %ge3A_345, %lt3A_348 : vector<16xi1>
        %jit3A_350 = arith.constant 65535 : i32
        %broadcast_in_dim3A_351 = vector.broadcast %jit3A_350 : i32 to vector<16xi32>
        %select_n3A_352 = arith.select %and3A_349, %min3A_335, %broadcast_in_dim3A_351 : vector<16xi1>, vector<16xi32>
        %mul3A_353 = arith.constant 16 : i32
        %mul3A_354 = arith.muli %scan3A_320, %mul3A_353 : i32
        %swap3A_355 = arith.index_cast %mul3A_354 : i32 to index
        %swap3A_356 = tpu.vector_load %arg20[%swap3A_355] {strides = array<i32>} : memref<512xi32, #tpu.memory_space<vmem>>, vector<16xi32>,
        %swap3A_357 = vector.shape_cast %swap3A_356 : vector<16xi32> to vector<16xi32>
        %swap3A_358 = vector.shape_cast %select_n3A_352 : vector<16xi32> to vector<16xi32>
        tpu.vector_store %arg20[%swap3A_355], %swap3A_358 {strides = array<i32>} : memref<512xi32, #tpu.memory_space<vmem>>, vector<16xi32>,
        %jit3A_359 = arith.constant 0 : i32
        %broadcast_in_dim3A_360 = vector.broadcast %jit3A_359 : i32 to vector<16xi32>
        %select_n3A_361 = arith.select %and3A_349, %sub3A_342, %broadcast_in_dim3A_360 : vector<16xi1>, vector<16xi32>
        %mul3A_362 = arith.constant 16 : i32
        %mul3A_363 = arith.muli %scan3A_320, %mul3A_362 : i32
        %swap3A_364 = arith.index_cast %mul3A_363 : i32 to index
        %swap3A_365 = tpu.vector_load %arg21[%swap3A_364] {strides = array<i32>} : memref<512xi32, #tpu.memory_space<vmem>>, vector<16xi32>,
        %swap3A_366 = vector.shape_cast %swap3A_365 : vector<16xi32> to vector<16xi32>
        %swap3A_367 = vector.shape_cast %select_n3A_361 : vector<16xi32> to vector<16xi32>
        tpu.vector_store %arg21[%swap3A_364], %swap3A_367 {strides = array<i32>} : memref<512xi32, #tpu.memory_space<vmem>>, vector<16xi32>,
      }
      %scan3A_99 = arith.constant 32 : i32
      %dma_start3A_100 = arith.constant 0 : i32
      %dma_start3A_101 = arith.constant 0 : i32
      %dma_start3A_102 = tpu.memref_slice %arg6[%dma_start3A_100, %dma_start3A_101] : memref<65536x16xf32, #tpu.memory_space<hbm>> -> memref<65536x16xf32, #tpu.memory_space<hbm>>
      tpu.enqueue_indirect_dma source(%dma_start3A_102 : memref<65536x16xf32, #tpu.memory_space<hbm>>) target(%arg22 : memref<512x16xf32, #tpu.memory_space<vmem>>) offsets(%arg20 : memref<512xi32, #tpu.memory_space<vmem>>) semaphore(%arg30 : memref<!tpu.dma_semaphore, #tpu.memory_space<semaphore_mem>>)
      %dma_start3A_103 = arith.constant 0 : i32
      %dma_start3A_104 = arith.constant 0 : i32
      %dma_start3A_105 = tpu.memref_slice %arg2[%dma_start3A_103, %dma_start3A_104] : memref<100000x16xf32, #tpu.memory_space<hbm>> -> memref<100000x16xf32, #tpu.memory_space<hbm>>
      tpu.enqueue_indirect_dma source(%dma_start3A_105 : memref<100000x16xf32, #tpu.memory_space<hbm>>) target(%arg23 : memref<512x16xf32, #tpu.memory_space<vmem>>) offsets(%arg17 : memref<512xi32, #tpu.memory_space<vmem>>) semaphore(%arg30 : memref<!tpu.dma_semaphore, #tpu.memory_space<semaphore_mem>>)
      %dma_wait3A_106 = arith.constant 0 : i32
      %dma_wait3A_107 = arith.constant 0 : i32
      %dma_wait3A_108 = tpu.memref_slice %arg6[%dma_wait3A_106, %dma_wait3A_107] : memref<65536x16xf32, #tpu.memory_space<hbm>> -> memref<65536x16xf32, #tpu.memory_space<hbm>>
      tpu.wait_indirect_dma semaphore(%arg27 : memref<!tpu.dma_semaphore, #tpu.memory_space<semaphore_mem>>) src(%dma_wait3A_108 : memref<65536x16xf32, #tpu.memory_space<hbm>>) dst(%arg14 : memref<512x16xf32, #tpu.memory_space<vmem>>)
      %dma_wait3A_109 = arith.constant 0 : i32
      %dma_wait3A_110 = arith.constant 0 : i32
      %dma_wait3A_111 = tpu.memref_slice %arg2[%dma_wait3A_109, %dma_wait3A_110] : memref<100000x16xf32, #tpu.memory_space<hbm>> -> memref<100000x16xf32, #tpu.memory_space<hbm>>
      tpu.wait_indirect_dma semaphore(%arg27 : memref<!tpu.dma_semaphore, #tpu.memory_space<semaphore_mem>>) src(%dma_wait3A_111 : memref<100000x16xf32, #tpu.memory_space<hbm>>) dst(%arg15 : memref<512x16xf32, #tpu.memory_space<vmem>>)
      %add3A_112 = arith.constant 2 : i32
      %add3A_113 = arith.addi %mul3A_80, %add3A_112 : i32
      %mul3A_114 = arith.constant 200704 : i32
      %mul3A_115 = arith.muli %arg1, %mul3A_114 : i32
      %mul3A_116 = arith.constant 512 : i32
      %mul3A_117 = arith.muli %add3A_113, %mul3A_116 : i32
      %add3A_118 = arith.addi %mul3A_115, %mul3A_117 : i32
      %dma_start3A_119 = tpu.memref_slice %arg3[%add3A_118] : memref<3212288xi32, #tpu.memory_space<hbm>> -> memref<512xi32, #tpu.memory_space<hbm>>
      %dma_start3A_120 = tpu.memref_slice %arg3[%add3A_118] : memref<3212288xi32, #tpu.memory_space<hbm>> -> memref<512xi32, #tpu.memory_space<hbm>>
      tpu.enqueue_dma source(%dma_start3A_120 : memref<512xi32, #tpu.memory_space<hbm>>) target(%arg9 : memref<512xi32, #tpu.memory_space<vmem>>) target_semaphore(%arg26 : memref<!tpu.dma_semaphore, #tpu.memory_space<semaphore_mem>>)
      %dma_start3A_121 = tpu.memref_slice %arg4[%add3A_118] : memref<3212288xi32, #tpu.memory_space<hbm>> -> memref<512xi32, #tpu.memory_space<hbm>>
      %dma_start3A_122 = tpu.memref_slice %arg4[%add3A_118] : memref<3212288xi32, #tpu.memory_space<hbm>> -> memref<512xi32, #tpu.memory_space<hbm>>
      tpu.enqueue_dma source(%dma_start3A_122 : memref<512xi32, #tpu.memory_space<hbm>>) target(%arg10 : memref<512xi32, #tpu.memory_space<vmem>>) target_semaphore(%arg26 : memref<!tpu.dma_semaphore, #tpu.memory_space<semaphore_mem>>)
      %dma_start3A_123 = tpu.memref_slice %arg5[%add3A_118] : memref<3212288xf32, #tpu.memory_space<hbm>> -> memref<512xf32, #tpu.memory_space<hbm>>
      %dma_start3A_124 = tpu.memref_slice %arg5[%add3A_118] : memref<3212288xf32, #tpu.memory_space<hbm>> -> memref<512xf32, #tpu.memory_space<hbm>>
      tpu.enqueue_dma source(%dma_start3A_124 : memref<512xf32, #tpu.memory_space<hbm>>) target(%arg11 : memref<512xf32, #tpu.memory_space<vmem>>) target_semaphore(%arg26 : memref<!tpu.dma_semaphore, #tpu.memory_space<semaphore_mem>>)
      %scan3A_125 = arith.constant 0 : i32
      %scan3A_126 = arith.constant 0 : i32
      %scan3A_127 = arith.constant 512 : i32
      %scan3A_128 = arith.addi %scan3A_126, %scan3A_127 : i32
      %scan3A_129 = arith.constant 8 : i32
      scf.for %scan3A_183 = %scan3A_126 to %scan3A_128 step %scan3A_129  : i32 {
        %get3A = arith.index_cast %scan3A_183 : i32 to index
        %get3A_184 = arith.constant 0 : index
        %get3A_185 = tpu.vector_load %arg14[%get3A, %get3A_184] {strides = array<i32>} : memref<512x16xf32, #tpu.memory_space<vmem>>, vector<1x16xf32>,
        %get3A_186 = vector.shape_cast %get3A_185 : vector<1x16xf32> to vector<16xf32>
        %get3A_187 = arith.index_cast %scan3A_183 : i32 to index
        %get3A_188 = arith.constant 0 : index
        %get3A_189 = tpu.vector_load %arg15[%get3A_187, %get3A_188] {strides = array<i32>} : memref<512x16xf32, #tpu.memory_space<vmem>>, vector<1x16xf32>,
        %get3A_190 = vector.shape_cast %get3A_189 : vector<1x16xf32> to vector<16xf32>
        %mul3A_191 = arith.mulf %get3A_186, %get3A_190 : vector<16xf32>
        %swap3A = arith.index_cast %scan3A_183 : i32 to index
        %swap3A_192 = arith.constant 0 : index
        %swap3A_193 = tpu.vector_load %arg16[%swap3A, %swap3A_192] {strides = array<i32>} : memref<512x16xf32, #tpu.memory_space<vmem>>, vector<1x16xf32>,
        %swap3A_194 = vector.shape_cast %swap3A_193 : vector<1x16xf32> to vector<16xf32>
        %swap3A_195 = vector.shape_cast %mul3A_191 : vector<16xf32> to vector<1x16xf32>
        tpu.vector_store %arg16[%swap3A, %swap3A_192], %swap3A_195 {strides = array<i32>} : memref<512x16xf32, #tpu.memory_space<vmem>>, vector<1x16xf32>,
        %scan3A_196 = arith.constant 1 : i32
        %scan3A_197 = arith.addi %scan3A_183, %scan3A_196 : i32
        %get3A_198 = arith.index_cast %scan3A_197 : i32 to index
        %get3A_199 = arith.constant 0 : index
        %get3A_200 = tpu.vector_load %arg14[%get3A_198, %get3A_199] {strides = array<i32>} : memref<512x16xf32, #tpu.memory_space<vmem>>, vector<1x16xf32>,
        %get3A_201 = vector.shape_cast %get3A_200 : vector<1x16xf32> to vector<16xf32>
        %get3A_202 = arith.index_cast %scan3A_197 : i32 to index
        %get3A_203 = arith.constant 0 : index
        %get3A_204 = tpu.vector_load %arg15[%get3A_202, %get3A_203] {strides = array<i32>} : memref<512x16xf32, #tpu.memory_space<vmem>>, vector<1x16xf32>,
        %get3A_205 = vector.shape_cast %get3A_204 : vector<1x16xf32> to vector<16xf32>
        %mul3A_206 = arith.mulf %get3A_201, %get3A_205 : vector<16xf32>
        %swap3A_207 = arith.index_cast %scan3A_197 : i32 to index
        %swap3A_208 = arith.constant 0 : index
        %swap3A_209 = tpu.vector_load %arg16[%swap3A_207, %swap3A_208] {strides = array<i32>} : memref<512x16xf32, #tpu.memory_space<vmem>>, vector<1x16xf32>,
        %swap3A_210 = vector.shape_cast %swap3A_209 : vector<1x16xf32> to vector<16xf32>
        %swap3A_211 = vector.shape_cast %mul3A_206 : vector<16xf32> to vector<1x16xf32>
        tpu.vector_store %arg16[%swap3A_207, %swap3A_208], %swap3A_211 {strides = array<i32>} : memref<512x16xf32, #tpu.memory_space<vmem>>, vector<1x16xf32>,
        %scan3A_212 = arith.constant 2 : i32
        %scan3A_213 = arith.addi %scan3A_183, %scan3A_212 : i32
        %get3A_214 = arith.index_cast %scan3A_213 : i32 to index
        %get3A_215 = arith.constant 0 : index
        %get3A_216 = tpu.vector_load %arg14[%get3A_214, %get3A_215] {strides = array<i32>} : memref<512x16xf32, #tpu.memory_space<vmem>>, vector<1x16xf32>,
        %get3A_217 = vector.shape_cast %get3A_216 : vector<1x16xf32> to vector<16xf32>
        %get3A_218 = arith.index_cast %scan3A_213 : i32 to index
        %get3A_219 = arith.constant 0 : index
        %get3A_220 = tpu.vector_load %arg15[%get3A_218, %get3A_219] {strides = array<i32>} : memref<512x16xf32, #tpu.memory_space<vmem>>, vector<1x16xf32>,
        %get3A_221 = vector.shape_cast %get3A_220 : vector<1x16xf32> to vector<16xf32>
        %mul3A_222 = arith.mulf %get3A_217, %get3A_221 : vector<16xf32>
        %swap3A_223 = arith.index_cast %scan3A_213 : i32 to index
        %swap3A_224 = arith.constant 0 : index
        %swap3A_225 = tpu.vector_load %arg16[%swap3A_223, %swap3A_224] {strides = array<i32>} : memref<512x16xf32, #tpu.memory_space<vmem>>, vector<1x16xf32>,
        %swap3A_226 = vector.shape_cast %swap3A_225 : vector<1x16xf32> to vector<16xf32>
        %swap3A_227 = vector.shape_cast %mul3A_222 : vector<16xf32> to vector<1x16xf32>
        tpu.vector_store %arg16[%swap3A_223, %swap3A_224], %swap3A_227 {strides = array<i32>} : memref<512x16xf32, #tpu.memory_space<vmem>>, vector<1x16xf32>,
        %scan3A_228 = arith.constant 3 : i32
        %scan3A_229 = arith.addi %scan3A_183, %scan3A_228 : i32
        %get3A_230 = arith.index_cast %scan3A_229 : i32 to index
        %get3A_231 = arith.constant 0 : index
        %get3A_232 = tpu.vector_load %arg14[%get3A_230, %get3A_231] {strides = array<i32>} : memref<512x16xf32, #tpu.memory_space<vmem>>, vector<1x16xf32>,
        %get3A_233 = vector.shape_cast %get3A_232 : vector<1x16xf32> to vector<16xf32>
        %get3A_234 = arith.index_cast %scan3A_229 : i32 to index
        %get3A_235 = arith.constant 0 : index
        %get3A_236 = tpu.vector_load %arg15[%get3A_234, %get3A_235] {strides = array<i32>} : memref<512x16xf32, #tpu.memory_space<vmem>>, vector<1x16xf32>,
        %get3A_237 = vector.shape_cast %get3A_236 : vector<1x16xf32> to vector<16xf32>
        %mul3A_238 = arith.mulf %get3A_233, %get3A_237 : vector<16xf32>
        %swap3A_239 = arith.index_cast %scan3A_229 : i32 to index
        %swap3A_240 = arith.constant 0 : index
        %swap3A_241 = tpu.vector_load %arg16[%swap3A_239, %swap3A_240] {strides = array<i32>} : memref<512x16xf32, #tpu.memory_space<vmem>>, vector<1x16xf32>,
        %swap3A_242 = vector.shape_cast %swap3A_241 : vector<1x16xf32> to vector<16xf32>
        %swap3A_243 = vector.shape_cast %mul3A_238 : vector<16xf32> to vector<1x16xf32>
        tpu.vector_store %arg16[%swap3A_239, %swap3A_240], %swap3A_243 {strides = array<i32>} : memref<512x16xf32, #tpu.memory_space<vmem>>, vector<1x16xf32>,
        %scan3A_244 = arith.constant 4 : i32
        %scan3A_245 = arith.addi %scan3A_183, %scan3A_244 : i32
        %get3A_246 = arith.index_cast %scan3A_245 : i32 to index
        %get3A_247 = arith.constant 0 : index
        %get3A_248 = tpu.vector_load %arg14[%get3A_246, %get3A_247] {strides = array<i32>} : memref<512x16xf32, #tpu.memory_space<vmem>>, vector<1x16xf32>,
        %get3A_249 = vector.shape_cast %get3A_248 : vector<1x16xf32> to vector<16xf32>
        %get3A_250 = arith.index_cast %scan3A_245 : i32 to index
        %get3A_251 = arith.constant 0 : index
        %get3A_252 = tpu.vector_load %arg15[%get3A_250, %get3A_251] {strides = array<i32>} : memref<512x16xf32, #tpu.memory_space<vmem>>, vector<1x16xf32>,
        %get3A_253 = vector.shape_cast %get3A_252 : vector<1x16xf32> to vector<16xf32>
        %mul3A_254 = arith.mulf %get3A_249, %get3A_253 : vector<16xf32>
        %swap3A_255 = arith.index_cast %scan3A_245 : i32 to index
        %swap3A_256 = arith.constant 0 : index
        %swap3A_257 = tpu.vector_load %arg16[%swap3A_255, %swap3A_256] {strides = array<i32>} : memref<512x16xf32, #tpu.memory_space<vmem>>, vector<1x16xf32>,
        %swap3A_258 = vector.shape_cast %swap3A_257 : vector<1x16xf32> to vector<16xf32>
        %swap3A_259 = vector.shape_cast %mul3A_254 : vector<16xf32> to vector<1x16xf32>
        tpu.vector_store %arg16[%swap3A_255, %swap3A_256], %swap3A_259 {strides = array<i32>} : memref<512x16xf32, #tpu.memory_space<vmem>>, vector<1x16xf32>,
        %scan3A_260 = arith.constant 5 : i32
        %scan3A_261 = arith.addi %scan3A_183, %scan3A_260 : i32
        %get3A_262 = arith.index_cast %scan3A_261 : i32 to index
        %get3A_263 = arith.constant 0 : index
        %get3A_264 = tpu.vector_load %arg14[%get3A_262, %get3A_263] {strides = array<i32>} : memref<512x16xf32, #tpu.memory_space<vmem>>, vector<1x16xf32>,
        %get3A_265 = vector.shape_cast %get3A_264 : vector<1x16xf32> to vector<16xf32>
        %get3A_266 = arith.index_cast %scan3A_261 : i32 to index
        %get3A_267 = arith.constant 0 : index
        %get3A_268 = tpu.vector_load %arg15[%get3A_266, %get3A_267] {strides = array<i32>} : memref<512x16xf32, #tpu.memory_space<vmem>>, vector<1x16xf32>,
        %get3A_269 = vector.shape_cast %get3A_268 : vector<1x16xf32> to vector<16xf32>
        %mul3A_270 = arith.mulf %get3A_265, %get3A_269 : vector<16xf32>
        %swap3A_271 = arith.index_cast %scan3A_261 : i32 to index
        %swap3A_272 = arith.constant 0 : index
        %swap3A_273 = tpu.vector_load %arg16[%swap3A_271, %swap3A_272] {strides = array<i32>} : memref<512x16xf32, #tpu.memory_space<vmem>>, vector<1x16xf32>,
        %swap3A_274 = vector.shape_cast %swap3A_273 : vector<1x16xf32> to vector<16xf32>
        %swap3A_275 = vector.shape_cast %mul3A_270 : vector<16xf32> to vector<1x16xf32>
        tpu.vector_store %arg16[%swap3A_271, %swap3A_272], %swap3A_275 {strides = array<i32>} : memref<512x16xf32, #tpu.memory_space<vmem>>, vector<1x16xf32>,
        %scan3A_276 = arith.constant 6 : i32
        %scan3A_277 = arith.addi %scan3A_183, %scan3A_276 : i32
        %get3A_278 = arith.index_cast %scan3A_277 : i32 to index
        %get3A_279 = arith.constant 0 : index
        %get3A_280 = tpu.vector_load %arg14[%get3A_278, %get3A_279] {strides = array<i32>} : memref<512x16xf32, #tpu.memory_space<vmem>>, vector<1x16xf32>,
        %get3A_281 = vector.shape_cast %get3A_280 : vector<1x16xf32> to vector<16xf32>
        %get3A_282 = arith.index_cast %scan3A_277 : i32 to index
        %get3A_283 = arith.constant 0 : index
        %get3A_284 = tpu.vector_load %arg15[%get3A_282, %get3A_283] {strides = array<i32>} : memref<512x16xf32, #tpu.memory_space<vmem>>, vector<1x16xf32>,
        %get3A_285 = vector.shape_cast %get3A_284 : vector<1x16xf32> to vector<16xf32>
        %mul3A_286 = arith.mulf %get3A_281, %get3A_285 : vector<16xf32>
        %swap3A_287 = arith.index_cast %scan3A_277 : i32 to index
        %swap3A_288 = arith.constant 0 : index
        %swap3A_289 = tpu.vector_load %arg16[%swap3A_287, %swap3A_288] {strides = array<i32>} : memref<512x16xf32, #tpu.memory_space<vmem>>, vector<1x16xf32>,
        %swap3A_290 = vector.shape_cast %swap3A_289 : vector<1x16xf32> to vector<16xf32>
        %swap3A_291 = vector.shape_cast %mul3A_286 : vector<16xf32> to vector<1x16xf32>
        tpu.vector_store %arg16[%swap3A_287, %swap3A_288], %swap3A_291 {strides = array<i32>} : memref<512x16xf32, #tpu.memory_space<vmem>>, vector<1x16xf32>,
        %scan3A_292 = arith.constant 7 : i32
        %scan3A_293 = arith.addi %scan3A_183, %scan3A_292 : i32
        %get3A_294 = arith.index_cast %scan3A_293 : i32 to index
        %get3A_295 = arith.constant 0 : index
        %get3A_296 = tpu.vector_load %arg14[%get3A_294, %get3A_295] {strides = array<i32>} : memref<512x16xf32, #tpu.memory_space<vmem>>, vector<1x16xf32>,
        %get3A_297 = vector.shape_cast %get3A_296 : vector<1x16xf32> to vector<16xf32>
        %get3A_298 = arith.index_cast %scan3A_293 : i32 to index
        %get3A_299 = arith.constant 0 : index
        %get3A_300 = tpu.vector_load %arg15[%get3A_298, %get3A_299] {strides = array<i32>} : memref<512x16xf32, #tpu.memory_space<vmem>>, vector<1x16xf32>,
        %get3A_301 = vector.shape_cast %get3A_300 : vector<1x16xf32> to vector<16xf32>
        %mul3A_302 = arith.mulf %get3A_297, %get3A_301 : vector<16xf32>
        %swap3A_303 = arith.index_cast %scan3A_293 : i32 to index
        %swap3A_304 = arith.constant 0 : index
        %swap3A_305 = tpu.vector_load %arg16[%swap3A_303, %swap3A_304] {strides = array<i32>} : memref<512x16xf32, #tpu.memory_space<vmem>>, vector<1x16xf32>,
        %swap3A_306 = vector.shape_cast %swap3A_305 : vector<1x16xf32> to vector<16xf32>
        %swap3A_307 = vector.shape_cast %mul3A_302 : vector<16xf32> to vector<1x16xf32>
        tpu.vector_store %arg16[%swap3A_303, %swap3A_304], %swap3A_307 {strides = array<i32>} : memref<512x16xf32, #tpu.memory_space<vmem>>, vector<1x16xf32>,
      }
      %scan3A_130 = arith.constant 512 : i32
      "tpu.region"() ({
        %run_scoped3A = tpu.sem_alloc : memref<!tpu.dma_semaphore, #tpu.memory_space<semaphore_mem>>
        %dma_start3A_183 = arith.constant 0 : i32
        %dma_start3A_184 = arith.constant 0 : i32
        %dma_start3A_185 = tpu.memref_slice %arg25[%dma_start3A_183, %dma_start3A_184] : memref<50000x16xf32, #tpu.memory_space<vmem_shared>> -> memref<50000x16xf32, #tpu.memory_space<vmem_shared>>
        tpu.enqueue_indirect_dma source(%arg16 : memref<512x16xf32, #tpu.memory_space<vmem>>) target(%dma_start3A_185 : memref<50000x16xf32, #tpu.memory_space<vmem_shared>>) offsets(%arg13 : memref<512xi32, #tpu.memory_space<vmem>>) semaphore(%run_scoped3A : memref<!tpu.dma_semaphore, #tpu.memory_space<semaphore_mem>>) {add = true}
        %dma_wait3A_186 = arith.constant 0 : i32
        %dma_wait3A_187 = arith.constant 0 : i32
        %dma_wait3A_188 = tpu.memref_slice %arg25[%dma_wait3A_186, %dma_wait3A_187] : memref<50000x16xf32, #tpu.memory_space<vmem_shared>> -> memref<50000x16xf32, #tpu.memory_space<vmem_shared>>
        tpu.wait_indirect_dma semaphore(%run_scoped3A : memref<!tpu.dma_semaphore, #tpu.memory_space<semaphore_mem>>) src(%arg16 : memref<512x16xf32, #tpu.memory_space<vmem>>) dst(%dma_wait3A_188 : memref<50000x16xf32, #tpu.memory_space<vmem_shared>>)
        tpu.yield
      }) : () -> ()
      %add3A_131 = arith.constant 1 : i32
      %add3A_132 = arith.addi %mul3A_80, %add3A_131 : i32
      %add3A_133 = arith.constant 1 : i32
      %add3A_134 = arith.addi %add3A_132, %add3A_133 : i32
      %mul3A_135 = arith.constant 200704 : i32
      %mul3A_136 = arith.muli %arg1, %mul3A_135 : i32
      %mul3A_137 = arith.constant 512 : i32
      %mul3A_138 = arith.muli %add3A_134, %mul3A_137 : i32
      %add3A_139 = arith.addi %mul3A_136, %mul3A_138 : i32
      %dma_wait3A_140 = tpu.memref_slice %arg3[%add3A_139] : memref<3212288xi32, #tpu.memory_space<hbm>> -> memref<512xi32, #tpu.memory_space<hbm>>
      %dma_wait3A_141 = tpu.memref_slice %arg3[%add3A_139] : memref<3212288xi32, #tpu.memory_space<hbm>> -> memref<512xi32, #tpu.memory_space<hbm>>
      tpu.wait_dma2 semaphore(%arg26 : memref<!tpu.dma_semaphore, #tpu.memory_space<semaphore_mem>>) src(%dma_wait3A_141 : memref<512xi32, #tpu.memory_space<hbm>>) dst(%arg9 : memref<512xi32, #tpu.memory_space<vmem>>)
      %dma_wait3A_142 = tpu.memref_slice %arg4[%add3A_139] : memref<3212288xi32, #tpu.memory_space<hbm>> -> memref<512xi32, #tpu.memory_space<hbm>>
      %dma_wait3A_143 = tpu.memref_slice %arg4[%add3A_139] : memref<3212288xi32, #tpu.memory_space<hbm>> -> memref<512xi32, #tpu.memory_space<hbm>>
      tpu.wait_dma2 semaphore(%arg26 : memref<!tpu.dma_semaphore, #tpu.memory_space<semaphore_mem>>) src(%dma_wait3A_143 : memref<512xi32, #tpu.memory_space<hbm>>) dst(%arg10 : memref<512xi32, #tpu.memory_space<vmem>>)
      %dma_wait3A_144 = tpu.memref_slice %arg5[%add3A_139] : memref<3212288xf32, #tpu.memory_space<hbm>> -> memref<512xf32, #tpu.memory_space<hbm>>
      %dma_wait3A_145 = tpu.memref_slice %arg5[%add3A_139] : memref<3212288xf32, #tpu.memory_space<hbm>> -> memref<512xf32, #tpu.memory_space<hbm>>
      tpu.wait_dma2 semaphore(%arg26 : memref<!tpu.dma_semaphore, #tpu.memory_space<semaphore_mem>>) src(%dma_wait3A_145 : memref<512xf32, #tpu.memory_space<hbm>>) dst(%arg11 : memref<512xf32, #tpu.memory_space<vmem>>)
      %scan3A_146 = arith.constant 0 : i32
      %scan3A_147 = arith.constant 0 : i32
      %scan3A_148 = arith.constant 32 : i32
      %scan3A_149 = arith.addi %scan3A_147, %scan3A_148 : i32
      %scan3A_150 = arith.constant 4 : i32
      scf.for %scan3A_183 = %scan3A_147 to %scan3A_149 step %scan3A_150  : i32 {
        %mul3A_184 = arith.constant 16 : i32
        %mul3A_185 = arith.muli %scan3A_183, %mul3A_184 : i32
        %get3A = arith.index_cast %mul3A_185 : i32 to index
        %get3A_186 = tpu.vector_load %arg11[%get3A] {strides = array<i32>} : memref<512xf32, #tpu.memory_space<vmem>>, vector<16xf32>,
        %get3A_187 = vector.shape_cast %get3A_186 : vector<16xf32> to vector<16xf32>
        %mul3A_188 = arith.constant 5349.7959 : f32
        %mul3A_189 = vector.broadcast %mul3A_188 : f32 to vector<16xf32>
        %mul3A_190 = arith.mulf %get3A_187, %mul3A_189 : vector<16xf32>
        %add3A_191 = arith.constant 5.000000e-01 : f32
        %add3A_192 = vector.broadcast %add3A_191 : f32 to vector<16xf32>
        %add3A_193 = arith.addf %mul3A_190, %add3A_192 : vector<16xf32>
        %convert_element_type3A_194 = arith.fptosi %add3A_193 : vector<16xf32> to vector<16xi32>
        %min3A = arith.constant 65535 : i32
        %min3A_195 = vector.broadcast %min3A : i32 to vector<16xi32>
        %min3A_196 = arith.minsi %convert_element_type3A_194, %min3A_195 : vector<16xi32>
        %mul3A_197 = arith.constant 16 : i32
        %mul3A_198 = arith.muli %scan3A_183, %mul3A_197 : i32
        %get3A_199 = arith.index_cast %mul3A_198 : i32 to index
        %get3A_200 = tpu.vector_load %arg10[%get3A_199] {strides = array<i32>} : memref<512xi32, #tpu.memory_space<vmem>>, vector<16xi32>,
        %get3A_201 = vector.shape_cast %get3A_200 : vector<16xi32> to vector<16xi32>
        %sub3A = vector.broadcast %mul3A_0 : i32 to vector<16xi32>
        %sub3A_202 = arith.subi %get3A_201, %sub3A : vector<16xi32>
        %ge3A = arith.constant 0 : i32
        %ge3A_203 = vector.broadcast %ge3A : i32 to vector<16xi32>
        %ge3A_204 = arith.cmpi sge, %sub3A_202, %ge3A_203 : vector<16xi32>
        %lt3A = arith.constant 50000 : i32
        %lt3A_205 = vector.broadcast %lt3A : i32 to vector<16xi32>
        %lt3A_206 = arith.cmpi slt, %sub3A_202, %lt3A_205 : vector<16xi32>
        %and3A = arith.andi %ge3A_204, %lt3A_206 : vector<16xi1>
        %jit3A = arith.constant 65535 : i32
        %broadcast_in_dim3A = vector.broadcast %jit3A : i32 to vector<16xi32>
        %select_n3A = arith.select %and3A, %min3A_196, %broadcast_in_dim3A : vector<16xi1>, vector<16xi32>
        %mul3A_207 = arith.constant 16 : i32
        %mul3A_208 = arith.muli %scan3A_183, %mul3A_207 : i32
        %swap3A = arith.index_cast %mul3A_208 : i32 to index
        %swap3A_209 = tpu.vector_load %arg12[%swap3A] {strides = array<i32>} : memref<512xi32, #tpu.memory_space<vmem>>, vector<16xi32>,
        %swap3A_210 = vector.shape_cast %swap3A_209 : vector<16xi32> to vector<16xi32>
        %swap3A_211 = vector.shape_cast %select_n3A : vector<16xi32> to vector<16xi32>
        tpu.vector_store %arg12[%swap3A], %swap3A_211 {strides = array<i32>} : memref<512xi32, #tpu.memory_space<vmem>>, vector<16xi32>,
        %jit3A_212 = arith.constant 0 : i32
        %broadcast_in_dim3A_213 = vector.broadcast %jit3A_212 : i32 to vector<16xi32>
        %select_n3A_214 = arith.select %and3A, %sub3A_202, %broadcast_in_dim3A_213 : vector<16xi1>, vector<16xi32>
        %mul3A_215 = arith.constant 16 : i32
        %mul3A_216 = arith.muli %scan3A_183, %mul3A_215 : i32
        %swap3A_217 = arith.index_cast %mul3A_216 : i32 to index
        %swap3A_218 = tpu.vector_load %arg13[%swap3A_217] {strides = array<i32>} : memref<512xi32, #tpu.memory_space<vmem>>, vector<16xi32>,
        %swap3A_219 = vector.shape_cast %swap3A_218 : vector<16xi32> to vector<16xi32>
        %swap3A_220 = vector.shape_cast %select_n3A_214 : vector<16xi32> to vector<16xi32>
        tpu.vector_store %arg13[%swap3A_217], %swap3A_220 {strides = array<i32>} : memref<512xi32, #tpu.memory_space<vmem>>, vector<16xi32>,
        %scan3A_221 = arith.constant 1 : i32
        %scan3A_222 = arith.addi %scan3A_183, %scan3A_221 : i32
        %mul3A_223 = arith.constant 16 : i32
        %mul3A_224 = arith.muli %scan3A_222, %mul3A_223 : i32
        %get3A_225 = arith.index_cast %mul3A_224 : i32 to index
        %get3A_226 = tpu.vector_load %arg11[%get3A_225] {strides = array<i32>} : memref<512xf32, #tpu.memory_space<vmem>>, vector<16xf32>,
        %get3A_227 = vector.shape_cast %get3A_226 : vector<16xf32> to vector<16xf32>
        %mul3A_228 = arith.constant 5349.7959 : f32
        %mul3A_229 = vector.broadcast %mul3A_228 : f32 to vector<16xf32>
        %mul3A_230 = arith.mulf %get3A_227, %mul3A_229 : vector<16xf32>
        %add3A_231 = arith.constant 5.000000e-01 : f32
        %add3A_232 = vector.broadcast %add3A_231 : f32 to vector<16xf32>
        %add3A_233 = arith.addf %mul3A_230, %add3A_232 : vector<16xf32>
        %convert_element_type3A_234 = arith.fptosi %add3A_233 : vector<16xf32> to vector<16xi32>
        %min3A_235 = arith.constant 65535 : i32
        %min3A_236 = vector.broadcast %min3A_235 : i32 to vector<16xi32>
        %min3A_237 = arith.minsi %convert_element_type3A_234, %min3A_236 : vector<16xi32>
        %mul3A_238 = arith.constant 16 : i32
        %mul3A_239 = arith.muli %scan3A_222, %mul3A_238 : i32
        %get3A_240 = arith.index_cast %mul3A_239 : i32 to index
        %get3A_241 = tpu.vector_load %arg10[%get3A_240] {strides = array<i32>} : memref<512xi32, #tpu.memory_space<vmem>>, vector<16xi32>,
        %get3A_242 = vector.shape_cast %get3A_241 : vector<16xi32> to vector<16xi32>
        %sub3A_243 = vector.broadcast %mul3A_0 : i32 to vector<16xi32>
        %sub3A_244 = arith.subi %get3A_242, %sub3A_243 : vector<16xi32>
        %ge3A_245 = arith.constant 0 : i32
        %ge3A_246 = vector.broadcast %ge3A_245 : i32 to vector<16xi32>
        %ge3A_247 = arith.cmpi sge, %sub3A_244, %ge3A_246 : vector<16xi32>
        %lt3A_248 = arith.constant 50000 : i32
        %lt3A_249 = vector.broadcast %lt3A_248 : i32 to vector<16xi32>
        %lt3A_250 = arith.cmpi slt, %sub3A_244, %lt3A_249 : vector<16xi32>
        %and3A_251 = arith.andi %ge3A_247, %lt3A_250 : vector<16xi1>
        %jit3A_252 = arith.constant 65535 : i32
        %broadcast_in_dim3A_253 = vector.broadcast %jit3A_252 : i32 to vector<16xi32>
        %select_n3A_254 = arith.select %and3A_251, %min3A_237, %broadcast_in_dim3A_253 : vector<16xi1>, vector<16xi32>
        %mul3A_255 = arith.constant 16 : i32
        %mul3A_256 = arith.muli %scan3A_222, %mul3A_255 : i32
        %swap3A_257 = arith.index_cast %mul3A_256 : i32 to index
        %swap3A_258 = tpu.vector_load %arg12[%swap3A_257] {strides = array<i32>} : memref<512xi32, #tpu.memory_space<vmem>>, vector<16xi32>,
        %swap3A_259 = vector.shape_cast %swap3A_258 : vector<16xi32> to vector<16xi32>
        %swap3A_260 = vector.shape_cast %select_n3A_254 : vector<16xi32> to vector<16xi32>
        tpu.vector_store %arg12[%swap3A_257], %swap3A_260 {strides = array<i32>} : memref<512xi32, #tpu.memory_space<vmem>>, vector<16xi32>,
        %jit3A_261 = arith.constant 0 : i32
        %broadcast_in_dim3A_262 = vector.broadcast %jit3A_261 : i32 to vector<16xi32>
        %select_n3A_263 = arith.select %and3A_251, %sub3A_244, %broadcast_in_dim3A_262 : vector<16xi1>, vector<16xi32>
        %mul3A_264 = arith.constant 16 : i32
        %mul3A_265 = arith.muli %scan3A_222, %mul3A_264 : i32
        %swap3A_266 = arith.index_cast %mul3A_265 : i32 to index
        %swap3A_267 = tpu.vector_load %arg13[%swap3A_266] {strides = array<i32>} : memref<512xi32, #tpu.memory_space<vmem>>, vector<16xi32>,
        %swap3A_268 = vector.shape_cast %swap3A_267 : vector<16xi32> to vector<16xi32>
        %swap3A_269 = vector.shape_cast %select_n3A_263 : vector<16xi32> to vector<16xi32>
        tpu.vector_store %arg13[%swap3A_266], %swap3A_269 {strides = array<i32>} : memref<512xi32, #tpu.memory_space<vmem>>, vector<16xi32>,
        %scan3A_270 = arith.constant 2 : i32
        %scan3A_271 = arith.addi %scan3A_183, %scan3A_270 : i32
        %mul3A_272 = arith.constant 16 : i32
        %mul3A_273 = arith.muli %scan3A_271, %mul3A_272 : i32
        %get3A_274 = arith.index_cast %mul3A_273 : i32 to index
        %get3A_275 = tpu.vector_load %arg11[%get3A_274] {strides = array<i32>} : memref<512xf32, #tpu.memory_space<vmem>>, vector<16xf32>,
        %get3A_276 = vector.shape_cast %get3A_275 : vector<16xf32> to vector<16xf32>
        %mul3A_277 = arith.constant 5349.7959 : f32
        %mul3A_278 = vector.broadcast %mul3A_277 : f32 to vector<16xf32>
        %mul3A_279 = arith.mulf %get3A_276, %mul3A_278 : vector<16xf32>
        %add3A_280 = arith.constant 5.000000e-01 : f32
        %add3A_281 = vector.broadcast %add3A_280 : f32 to vector<16xf32>
        %add3A_282 = arith.addf %mul3A_279, %add3A_281 : vector<16xf32>
        %convert_element_type3A_283 = arith.fptosi %add3A_282 : vector<16xf32> to vector<16xi32>
        %min3A_284 = arith.constant 65535 : i32
        %min3A_285 = vector.broadcast %min3A_284 : i32 to vector<16xi32>
        %min3A_286 = arith.minsi %convert_element_type3A_283, %min3A_285 : vector<16xi32>
        %mul3A_287 = arith.constant 16 : i32
        %mul3A_288 = arith.muli %scan3A_271, %mul3A_287 : i32
        %get3A_289 = arith.index_cast %mul3A_288 : i32 to index
        %get3A_290 = tpu.vector_load %arg10[%get3A_289] {strides = array<i32>} : memref<512xi32, #tpu.memory_space<vmem>>, vector<16xi32>,
        %get3A_291 = vector.shape_cast %get3A_290 : vector<16xi32> to vector<16xi32>
        %sub3A_292 = vector.broadcast %mul3A_0 : i32 to vector<16xi32>
        %sub3A_293 = arith.subi %get3A_291, %sub3A_292 : vector<16xi32>
        %ge3A_294 = arith.constant 0 : i32
        %ge3A_295 = vector.broadcast %ge3A_294 : i32 to vector<16xi32>
        %ge3A_296 = arith.cmpi sge, %sub3A_293, %ge3A_295 : vector<16xi32>
        %lt3A_297 = arith.constant 50000 : i32
        %lt3A_298 = vector.broadcast %lt3A_297 : i32 to vector<16xi32>
        %lt3A_299 = arith.cmpi slt, %sub3A_293, %lt3A_298 : vector<16xi32>
        %and3A_300 = arith.andi %ge3A_296, %lt3A_299 : vector<16xi1>
        %jit3A_301 = arith.constant 65535 : i32
        %broadcast_in_dim3A_302 = vector.broadcast %jit3A_301 : i32 to vector<16xi32>
        %select_n3A_303 = arith.select %and3A_300, %min3A_286, %broadcast_in_dim3A_302 : vector<16xi1>, vector<16xi32>
        %mul3A_304 = arith.constant 16 : i32
        %mul3A_305 = arith.muli %scan3A_271, %mul3A_304 : i32
        %swap3A_306 = arith.index_cast %mul3A_305 : i32 to index
        %swap3A_307 = tpu.vector_load %arg12[%swap3A_306] {strides = array<i32>} : memref<512xi32, #tpu.memory_space<vmem>>, vector<16xi32>,
        %swap3A_308 = vector.shape_cast %swap3A_307 : vector<16xi32> to vector<16xi32>
        %swap3A_309 = vector.shape_cast %select_n3A_303 : vector<16xi32> to vector<16xi32>
        tpu.vector_store %arg12[%swap3A_306], %swap3A_309 {strides = array<i32>} : memref<512xi32, #tpu.memory_space<vmem>>, vector<16xi32>,
        %jit3A_310 = arith.constant 0 : i32
        %broadcast_in_dim3A_311 = vector.broadcast %jit3A_310 : i32 to vector<16xi32>
        %select_n3A_312 = arith.select %and3A_300, %sub3A_293, %broadcast_in_dim3A_311 : vector<16xi1>, vector<16xi32>
        %mul3A_313 = arith.constant 16 : i32
        %mul3A_314 = arith.muli %scan3A_271, %mul3A_313 : i32
        %swap3A_315 = arith.index_cast %mul3A_314 : i32 to index
        %swap3A_316 = tpu.vector_load %arg13[%swap3A_315] {strides = array<i32>} : memref<512xi32, #tpu.memory_space<vmem>>, vector<16xi32>,
        %swap3A_317 = vector.shape_cast %swap3A_316 : vector<16xi32> to vector<16xi32>
        %swap3A_318 = vector.shape_cast %select_n3A_312 : vector<16xi32> to vector<16xi32>
        tpu.vector_store %arg13[%swap3A_315], %swap3A_318 {strides = array<i32>} : memref<512xi32, #tpu.memory_space<vmem>>, vector<16xi32>,
        %scan3A_319 = arith.constant 3 : i32
        %scan3A_320 = arith.addi %scan3A_183, %scan3A_319 : i32
        %mul3A_321 = arith.constant 16 : i32
        %mul3A_322 = arith.muli %scan3A_320, %mul3A_321 : i32
        %get3A_323 = arith.index_cast %mul3A_322 : i32 to index
        %get3A_324 = tpu.vector_load %arg11[%get3A_323] {strides = array<i32>} : memref<512xf32, #tpu.memory_space<vmem>>, vector<16xf32>,
        %get3A_325 = vector.shape_cast %get3A_324 : vector<16xf32> to vector<16xf32>
        %mul3A_326 = arith.constant 5349.7959 : f32
        %mul3A_327 = vector.broadcast %mul3A_326 : f32 to vector<16xf32>
        %mul3A_328 = arith.mulf %get3A_325, %mul3A_327 : vector<16xf32>
        %add3A_329 = arith.constant 5.000000e-01 : f32
        %add3A_330 = vector.broadcast %add3A_329 : f32 to vector<16xf32>
        %add3A_331 = arith.addf %mul3A_328, %add3A_330 : vector<16xf32>
        %convert_element_type3A_332 = arith.fptosi %add3A_331 : vector<16xf32> to vector<16xi32>
        %min3A_333 = arith.constant 65535 : i32
        %min3A_334 = vector.broadcast %min3A_333 : i32 to vector<16xi32>
        %min3A_335 = arith.minsi %convert_element_type3A_332, %min3A_334 : vector<16xi32>
        %mul3A_336 = arith.constant 16 : i32
        %mul3A_337 = arith.muli %scan3A_320, %mul3A_336 : i32
        %get3A_338 = arith.index_cast %mul3A_337 : i32 to index
        %get3A_339 = tpu.vector_load %arg10[%get3A_338] {strides = array<i32>} : memref<512xi32, #tpu.memory_space<vmem>>, vector<16xi32>,
        %get3A_340 = vector.shape_cast %get3A_339 : vector<16xi32> to vector<16xi32>
        %sub3A_341 = vector.broadcast %mul3A_0 : i32 to vector<16xi32>
        %sub3A_342 = arith.subi %get3A_340, %sub3A_341 : vector<16xi32>
        %ge3A_343 = arith.constant 0 : i32
        %ge3A_344 = vector.broadcast %ge3A_343 : i32 to vector<16xi32>
        %ge3A_345 = arith.cmpi sge, %sub3A_342, %ge3A_344 : vector<16xi32>
        %lt3A_346 = arith.constant 50000 : i32
        %lt3A_347 = vector.broadcast %lt3A_346 : i32 to vector<16xi32>
        %lt3A_348 = arith.cmpi slt, %sub3A_342, %lt3A_347 : vector<16xi32>
        %and3A_349 = arith.andi %ge3A_345, %lt3A_348 : vector<16xi1>
        %jit3A_350 = arith.constant 65535 : i32
        %broadcast_in_dim3A_351 = vector.broadcast %jit3A_350 : i32 to vector<16xi32>
        %select_n3A_352 = arith.select %and3A_349, %min3A_335, %broadcast_in_dim3A_351 : vector<16xi1>, vector<16xi32>
        %mul3A_353 = arith.constant 16 : i32
        %mul3A_354 = arith.muli %scan3A_320, %mul3A_353 : i32
        %swap3A_355 = arith.index_cast %mul3A_354 : i32 to index
        %swap3A_356 = tpu.vector_load %arg12[%swap3A_355] {strides = array<i32>} : memref<512xi32, #tpu.memory_space<vmem>>, vector<16xi32>,
        %swap3A_357 = vector.shape_cast %swap3A_356 : vector<16xi32> to vector<16xi32>
        %swap3A_358 = vector.shape_cast %select_n3A_352 : vector<16xi32> to vector<16xi32>
        tpu.vector_store %arg12[%swap3A_355], %swap3A_358 {strides = array<i32>} : memref<512xi32, #tpu.memory_space<vmem>>, vector<16xi32>,
        %jit3A_359 = arith.constant 0 : i32
        %broadcast_in_dim3A_360 = vector.broadcast %jit3A_359 : i32 to vector<16xi32>
        %select_n3A_361 = arith.select %and3A_349, %sub3A_342, %broadcast_in_dim3A_360 : vector<16xi1>, vector<16xi32>
        %mul3A_362 = arith.constant 16 : i32
        %mul3A_363 = arith.muli %scan3A_320, %mul3A_362 : i32
        %swap3A_364 = arith.index_cast %mul3A_363 : i32 to index
        %swap3A_365 = tpu.vector_load %arg13[%swap3A_364] {strides = array<i32>} : memref<512xi32, #tpu.memory_space<vmem>>, vector<16xi32>,
        %swap3A_366 = vector.shape_cast %swap3A_365 : vector<16xi32> to vector<16xi32>
        %swap3A_367 = vector.shape_cast %select_n3A_361 : vector<16xi32> to vector<16xi32>
        tpu.vector_store %arg13[%swap3A_364], %swap3A_367 {strides = array<i32>} : memref<512xi32, #tpu.memory_space<vmem>>, vector<16xi32>,
      }
      %scan3A_151 = arith.constant 32 : i32
      %dma_start3A_152 = arith.constant 0 : i32
      %dma_start3A_153 = arith.constant 0 : i32
      %dma_start3A_154 = tpu.memref_slice %arg6[%dma_start3A_152, %dma_start3A_153] : memref<65536x16xf32, #tpu.memory_space<hbm>> -> memref<65536x16xf32, #tpu.memory_space<hbm>>
      tpu.enqueue_indirect_dma source(%dma_start3A_154 : memref<65536x16xf32, #tpu.memory_space<hbm>>) target(%arg14 : memref<512x16xf32, #tpu.memory_space<vmem>>) offsets(%arg12 : memref<512xi32, #tpu.memory_space<vmem>>) semaphore(%arg27 : memref<!tpu.dma_semaphore, #tpu.memory_space<semaphore_mem>>)
      %dma_start3A_155 = arith.constant 0 : i32
      %dma_start3A_156 = arith.constant 0 : i32
      %dma_start3A_157 = tpu.memref_slice %arg2[%dma_start3A_155, %dma_start3A_156] : memref<100000x16xf32, #tpu.memory_space<hbm>> -> memref<100000x16xf32, #tpu.memory_space<hbm>>
      tpu.enqueue_indirect_dma source(%dma_start3A_157 : memref<100000x16xf32, #tpu.memory_space<hbm>>) target(%arg15 : memref<512x16xf32, #tpu.memory_space<vmem>>) offsets(%arg9 : memref<512xi32, #tpu.memory_space<vmem>>) semaphore(%arg27 : memref<!tpu.dma_semaphore, #tpu.memory_space<semaphore_mem>>)
      %dma_wait3A_158 = arith.constant 0 : i32
      %dma_wait3A_159 = arith.constant 0 : i32
      %dma_wait3A_160 = tpu.memref_slice %arg6[%dma_wait3A_158, %dma_wait3A_159] : memref<65536x16xf32, #tpu.memory_space<hbm>> -> memref<65536x16xf32, #tpu.memory_space<hbm>>
      tpu.wait_indirect_dma semaphore(%arg30 : memref<!tpu.dma_semaphore, #tpu.memory_space<semaphore_mem>>) src(%dma_wait3A_160 : memref<65536x16xf32, #tpu.memory_space<hbm>>) dst(%arg22 : memref<512x16xf32, #tpu.memory_space<vmem>>)
      %dma_wait3A_161 = arith.constant 0 : i32
      %dma_wait3A_162 = arith.constant 0 : i32
      %dma_wait3A_163 = tpu.memref_slice %arg2[%dma_wait3A_161, %dma_wait3A_162] : memref<100000x16xf32, #tpu.memory_space<hbm>> -> memref<100000x16xf32, #tpu.memory_space<hbm>>
      tpu.wait_indirect_dma semaphore(%arg30 : memref<!tpu.dma_semaphore, #tpu.memory_space<semaphore_mem>>) src(%dma_wait3A_163 : memref<100000x16xf32, #tpu.memory_space<hbm>>) dst(%arg23 : memref<512x16xf32, #tpu.memory_space<vmem>>)
      %add3A_164 = arith.constant 2 : i32
      %add3A_165 = arith.addi %add3A_132, %add3A_164 : i32
      %mul3A_166 = arith.constant 200704 : i32
      %mul3A_167 = arith.muli %arg1, %mul3A_166 : i32
      %mul3A_168 = arith.constant 512 : i32
      %mul3A_169 = arith.muli %add3A_165, %mul3A_168 : i32
      %add3A_170 = arith.addi %mul3A_167, %mul3A_169 : i32
      %dma_start3A_171 = tpu.memref_slice %arg3[%add3A_170] : memref<3212288xi32, #tpu.memory_space<hbm>> -> memref<512xi32, #tpu.memory_space<hbm>>
      %dma_start3A_172 = tpu.memref_slice %arg3[%add3A_170] : memref<3212288xi32, #tpu.memory_space<hbm>> -> memref<512xi32, #tpu.memory_space<hbm>>
      tpu.enqueue_dma source(%dma_start3A_172 : memref<512xi32, #tpu.memory_space<hbm>>) target(%arg17 : memref<512xi32, #tpu.memory_space<vmem>>) target_semaphore(%arg29 : memref<!tpu.dma_semaphore, #tpu.memory_space<semaphore_mem>>)
      %dma_start3A_173 = tpu.memref_slice %arg4[%add3A_170] : memref<3212288xi32, #tpu.memory_space<hbm>> -> memref<512xi32, #tpu.memory_space<hbm>>
      %dma_start3A_174 = tpu.memref_slice %arg4[%add3A_170] : memref<3212288xi32, #tpu.memory_space<hbm>> -> memref<512xi32, #tpu.memory_space<hbm>>
      tpu.enqueue_dma source(%dma_start3A_174 : memref<512xi32, #tpu.memory_space<hbm>>) target(%arg18 : memref<512xi32, #tpu.memory_space<vmem>>) target_semaphore(%arg29 : memref<!tpu.dma_semaphore, #tpu.memory_space<semaphore_mem>>)
      %dma_start3A_175 = tpu.memref_slice %arg5[%add3A_170] : memref<3212288xf32, #tpu.memory_space<hbm>> -> memref<512xf32, #tpu.memory_space<hbm>>
      %dma_start3A_176 = tpu.memref_slice %arg5[%add3A_170] : memref<3212288xf32, #tpu.memory_space<hbm>> -> memref<512xf32, #tpu.memory_space<hbm>>
      tpu.enqueue_dma source(%dma_start3A_176 : memref<512xf32, #tpu.memory_space<hbm>>) target(%arg19 : memref<512xf32, #tpu.memory_space<vmem>>) target_semaphore(%arg29 : memref<!tpu.dma_semaphore, #tpu.memory_space<semaphore_mem>>)
      %scan3A_177 = arith.constant 0 : i32
      %scan3A_178 = arith.constant 0 : i32
      %scan3A_179 = arith.constant 512 : i32
      %scan3A_180 = arith.addi %scan3A_178, %scan3A_179 : i32
      %scan3A_181 = arith.constant 8 : i32
      scf.for %scan3A_183 = %scan3A_178 to %scan3A_180 step %scan3A_181  : i32 {
        %get3A = arith.index_cast %scan3A_183 : i32 to index
        %get3A_184 = arith.constant 0 : index
        %get3A_185 = tpu.vector_load %arg22[%get3A, %get3A_184] {strides = array<i32>} : memref<512x16xf32, #tpu.memory_space<vmem>>, vector<1x16xf32>,
        %get3A_186 = vector.shape_cast %get3A_185 : vector<1x16xf32> to vector<16xf32>
        %get3A_187 = arith.index_cast %scan3A_183 : i32 to index
        %get3A_188 = arith.constant 0 : index
        %get3A_189 = tpu.vector_load %arg23[%get3A_187, %get3A_188] {strides = array<i32>} : memref<512x16xf32, #tpu.memory_space<vmem>>, vector<1x16xf32>,
        %get3A_190 = vector.shape_cast %get3A_189 : vector<1x16xf32> to vector<16xf32>
        %mul3A_191 = arith.mulf %get3A_186, %get3A_190 : vector<16xf32>
        %swap3A = arith.index_cast %scan3A_183 : i32 to index
        %swap3A_192 = arith.constant 0 : index
        %swap3A_193 = tpu.vector_load %arg24[%swap3A, %swap3A_192] {strides = array<i32>} : memref<512x16xf32, #tpu.memory_space<vmem>>, vector<1x16xf32>,
        %swap3A_194 = vector.shape_cast %swap3A_193 : vector<1x16xf32> to vector<16xf32>
        %swap3A_195 = vector.shape_cast %mul3A_191 : vector<16xf32> to vector<1x16xf32>
        tpu.vector_store %arg24[%swap3A, %swap3A_192], %swap3A_195 {strides = array<i32>} : memref<512x16xf32, #tpu.memory_space<vmem>>, vector<1x16xf32>,
        %scan3A_196 = arith.constant 1 : i32
        %scan3A_197 = arith.addi %scan3A_183, %scan3A_196 : i32
        %get3A_198 = arith.index_cast %scan3A_197 : i32 to index
        %get3A_199 = arith.constant 0 : index
        %get3A_200 = tpu.vector_load %arg22[%get3A_198, %get3A_199] {strides = array<i32>} : memref<512x16xf32, #tpu.memory_space<vmem>>, vector<1x16xf32>,
        %get3A_201 = vector.shape_cast %get3A_200 : vector<1x16xf32> to vector<16xf32>
        %get3A_202 = arith.index_cast %scan3A_197 : i32 to index
        %get3A_203 = arith.constant 0 : index
        %get3A_204 = tpu.vector_load %arg23[%get3A_202, %get3A_203] {strides = array<i32>} : memref<512x16xf32, #tpu.memory_space<vmem>>, vector<1x16xf32>,
        %get3A_205 = vector.shape_cast %get3A_204 : vector<1x16xf32> to vector<16xf32>
        %mul3A_206 = arith.mulf %get3A_201, %get3A_205 : vector<16xf32>
        %swap3A_207 = arith.index_cast %scan3A_197 : i32 to index
        %swap3A_208 = arith.constant 0 : index
        %swap3A_209 = tpu.vector_load %arg24[%swap3A_207, %swap3A_208] {strides = array<i32>} : memref<512x16xf32, #tpu.memory_space<vmem>>, vector<1x16xf32>,
        %swap3A_210 = vector.shape_cast %swap3A_209 : vector<1x16xf32> to vector<16xf32>
        %swap3A_211 = vector.shape_cast %mul3A_206 : vector<16xf32> to vector<1x16xf32>
        tpu.vector_store %arg24[%swap3A_207, %swap3A_208], %swap3A_211 {strides = array<i32>} : memref<512x16xf32, #tpu.memory_space<vmem>>, vector<1x16xf32>,
        %scan3A_212 = arith.constant 2 : i32
        %scan3A_213 = arith.addi %scan3A_183, %scan3A_212 : i32
        %get3A_214 = arith.index_cast %scan3A_213 : i32 to index
        %get3A_215 = arith.constant 0 : index
        %get3A_216 = tpu.vector_load %arg22[%get3A_214, %get3A_215] {strides = array<i32>} : memref<512x16xf32, #tpu.memory_space<vmem>>, vector<1x16xf32>,
        %get3A_217 = vector.shape_cast %get3A_216 : vector<1x16xf32> to vector<16xf32>
        %get3A_218 = arith.index_cast %scan3A_213 : i32 to index
        %get3A_219 = arith.constant 0 : index
        %get3A_220 = tpu.vector_load %arg23[%get3A_218, %get3A_219] {strides = array<i32>} : memref<512x16xf32, #tpu.memory_space<vmem>>, vector<1x16xf32>,
        %get3A_221 = vector.shape_cast %get3A_220 : vector<1x16xf32> to vector<16xf32>
        %mul3A_222 = arith.mulf %get3A_217, %get3A_221 : vector<16xf32>
        %swap3A_223 = arith.index_cast %scan3A_213 : i32 to index
        %swap3A_224 = arith.constant 0 : index
        %swap3A_225 = tpu.vector_load %arg24[%swap3A_223, %swap3A_224] {strides = array<i32>} : memref<512x16xf32, #tpu.memory_space<vmem>>, vector<1x16xf32>,
        %swap3A_226 = vector.shape_cast %swap3A_225 : vector<1x16xf32> to vector<16xf32>
        %swap3A_227 = vector.shape_cast %mul3A_222 : vector<16xf32> to vector<1x16xf32>
        tpu.vector_store %arg24[%swap3A_223, %swap3A_224], %swap3A_227 {strides = array<i32>} : memref<512x16xf32, #tpu.memory_space<vmem>>, vector<1x16xf32>,
        %scan3A_228 = arith.constant 3 : i32
        %scan3A_229 = arith.addi %scan3A_183, %scan3A_228 : i32
        %get3A_230 = arith.index_cast %scan3A_229 : i32 to index
        %get3A_231 = arith.constant 0 : index
        %get3A_232 = tpu.vector_load %arg22[%get3A_230, %get3A_231] {strides = array<i32>} : memref<512x16xf32, #tpu.memory_space<vmem>>, vector<1x16xf32>,
        %get3A_233 = vector.shape_cast %get3A_232 : vector<1x16xf32> to vector<16xf32>
        %get3A_234 = arith.index_cast %scan3A_229 : i32 to index
        %get3A_235 = arith.constant 0 : index
        %get3A_236 = tpu.vector_load %arg23[%get3A_234, %get3A_235] {strides = array<i32>} : memref<512x16xf32, #tpu.memory_space<vmem>>, vector<1x16xf32>,
        %get3A_237 = vector.shape_cast %get3A_236 : vector<1x16xf32> to vector<16xf32>
        %mul3A_238 = arith.mulf %get3A_233, %get3A_237 : vector<16xf32>
        %swap3A_239 = arith.index_cast %scan3A_229 : i32 to index
        %swap3A_240 = arith.constant 0 : index
        %swap3A_241 = tpu.vector_load %arg24[%swap3A_239, %swap3A_240] {strides = array<i32>} : memref<512x16xf32, #tpu.memory_space<vmem>>, vector<1x16xf32>,
        %swap3A_242 = vector.shape_cast %swap3A_241 : vector<1x16xf32> to vector<16xf32>
        %swap3A_243 = vector.shape_cast %mul3A_238 : vector<16xf32> to vector<1x16xf32>
        tpu.vector_store %arg24[%swap3A_239, %swap3A_240], %swap3A_243 {strides = array<i32>} : memref<512x16xf32, #tpu.memory_space<vmem>>, vector<1x16xf32>,
        %scan3A_244 = arith.constant 4 : i32
        %scan3A_245 = arith.addi %scan3A_183, %scan3A_244 : i32
        %get3A_246 = arith.index_cast %scan3A_245 : i32 to index
        %get3A_247 = arith.constant 0 : index
        %get3A_248 = tpu.vector_load %arg22[%get3A_246, %get3A_247] {strides = array<i32>} : memref<512x16xf32, #tpu.memory_space<vmem>>, vector<1x16xf32>,
        %get3A_249 = vector.shape_cast %get3A_248 : vector<1x16xf32> to vector<16xf32>
        %get3A_250 = arith.index_cast %scan3A_245 : i32 to index
        %get3A_251 = arith.constant 0 : index
        %get3A_252 = tpu.vector_load %arg23[%get3A_250, %get3A_251] {strides = array<i32>} : memref<512x16xf32, #tpu.memory_space<vmem>>, vector<1x16xf32>,
        %get3A_253 = vector.shape_cast %get3A_252 : vector<1x16xf32> to vector<16xf32>
        %mul3A_254 = arith.mulf %get3A_249, %get3A_253 : vector<16xf32>
        %swap3A_255 = arith.index_cast %scan3A_245 : i32 to index
        %swap3A_256 = arith.constant 0 : index
        %swap3A_257 = tpu.vector_load %arg24[%swap3A_255, %swap3A_256] {strides = array<i32>} : memref<512x16xf32, #tpu.memory_space<vmem>>, vector<1x16xf32>,
        %swap3A_258 = vector.shape_cast %swap3A_257 : vector<1x16xf32> to vector<16xf32>
        %swap3A_259 = vector.shape_cast %mul3A_254 : vector<16xf32> to vector<1x16xf32>
        tpu.vector_store %arg24[%swap3A_255, %swap3A_256], %swap3A_259 {strides = array<i32>} : memref<512x16xf32, #tpu.memory_space<vmem>>, vector<1x16xf32>,
        %scan3A_260 = arith.constant 5 : i32
        %scan3A_261 = arith.addi %scan3A_183, %scan3A_260 : i32
        %get3A_262 = arith.index_cast %scan3A_261 : i32 to index
        %get3A_263 = arith.constant 0 : index
        %get3A_264 = tpu.vector_load %arg22[%get3A_262, %get3A_263] {strides = array<i32>} : memref<512x16xf32, #tpu.memory_space<vmem>>, vector<1x16xf32>,
        %get3A_265 = vector.shape_cast %get3A_264 : vector<1x16xf32> to vector<16xf32>
        %get3A_266 = arith.index_cast %scan3A_261 : i32 to index
        %get3A_267 = arith.constant 0 : index
        %get3A_268 = tpu.vector_load %arg23[%get3A_266, %get3A_267] {strides = array<i32>} : memref<512x16xf32, #tpu.memory_space<vmem>>, vector<1x16xf32>,
        %get3A_269 = vector.shape_cast %get3A_268 : vector<1x16xf32> to vector<16xf32>
        %mul3A_270 = arith.mulf %get3A_265, %get3A_269 : vector<16xf32>
        %swap3A_271 = arith.index_cast %scan3A_261 : i32 to index
        %swap3A_272 = arith.constant 0 : index
        %swap3A_273 = tpu.vector_load %arg24[%swap3A_271, %swap3A_272] {strides = array<i32>} : memref<512x16xf32, #tpu.memory_space<vmem>>, vector<1x16xf32>,
        %swap3A_274 = vector.shape_cast %swap3A_273 : vector<1x16xf32> to vector<16xf32>
        %swap3A_275 = vector.shape_cast %mul3A_270 : vector<16xf32> to vector<1x16xf32>
        tpu.vector_store %arg24[%swap3A_271, %swap3A_272], %swap3A_275 {strides = array<i32>} : memref<512x16xf32, #tpu.memory_space<vmem>>, vector<1x16xf32>,
        %scan3A_276 = arith.constant 6 : i32
        %scan3A_277 = arith.addi %scan3A_183, %scan3A_276 : i32
        %get3A_278 = arith.index_cast %scan3A_277 : i32 to index
        %get3A_279 = arith.constant 0 : index
        %get3A_280 = tpu.vector_load %arg22[%get3A_278, %get3A_279] {strides = array<i32>} : memref<512x16xf32, #tpu.memory_space<vmem>>, vector<1x16xf32>,
        %get3A_281 = vector.shape_cast %get3A_280 : vector<1x16xf32> to vector<16xf32>
        %get3A_282 = arith.index_cast %scan3A_277 : i32 to index
        %get3A_283 = arith.constant 0 : index
        %get3A_284 = tpu.vector_load %arg23[%get3A_282, %get3A_283] {strides = array<i32>} : memref<512x16xf32, #tpu.memory_space<vmem>>, vector<1x16xf32>,
        %get3A_285 = vector.shape_cast %get3A_284 : vector<1x16xf32> to vector<16xf32>
        %mul3A_286 = arith.mulf %get3A_281, %get3A_285 : vector<16xf32>
        %swap3A_287 = arith.index_cast %scan3A_277 : i32 to index
        %swap3A_288 = arith.constant 0 : index
        %swap3A_289 = tpu.vector_load %arg24[%swap3A_287, %swap3A_288] {strides = array<i32>} : memref<512x16xf32, #tpu.memory_space<vmem>>, vector<1x16xf32>,
        %swap3A_290 = vector.shape_cast %swap3A_289 : vector<1x16xf32> to vector<16xf32>
        %swap3A_291 = vector.shape_cast %mul3A_286 : vector<16xf32> to vector<1x16xf32>
        tpu.vector_store %arg24[%swap3A_287, %swap3A_288], %swap3A_291 {strides = array<i32>} : memref<512x16xf32, #tpu.memory_space<vmem>>, vector<1x16xf32>,
        %scan3A_292 = arith.constant 7 : i32
        %scan3A_293 = arith.addi %scan3A_183, %scan3A_292 : i32
        %get3A_294 = arith.index_cast %scan3A_293 : i32 to index
        %get3A_295 = arith.constant 0 : index
        %get3A_296 = tpu.vector_load %arg22[%get3A_294, %get3A_295] {strides = array<i32>} : memref<512x16xf32, #tpu.memory_space<vmem>>, vector<1x16xf32>,
        %get3A_297 = vector.shape_cast %get3A_296 : vector<1x16xf32> to vector<16xf32>
        %get3A_298 = arith.index_cast %scan3A_293 : i32 to index
        %get3A_299 = arith.constant 0 : index
        %get3A_300 = tpu.vector_load %arg23[%get3A_298, %get3A_299] {strides = array<i32>} : memref<512x16xf32, #tpu.memory_space<vmem>>, vector<1x16xf32>,
        %get3A_301 = vector.shape_cast %get3A_300 : vector<1x16xf32> to vector<16xf32>
        %mul3A_302 = arith.mulf %get3A_297, %get3A_301 : vector<16xf32>
        %swap3A_303 = arith.index_cast %scan3A_293 : i32 to index
        %swap3A_304 = arith.constant 0 : index
        %swap3A_305 = tpu.vector_load %arg24[%swap3A_303, %swap3A_304] {strides = array<i32>} : memref<512x16xf32, #tpu.memory_space<vmem>>, vector<1x16xf32>,
        %swap3A_306 = vector.shape_cast %swap3A_305 : vector<1x16xf32> to vector<16xf32>
        %swap3A_307 = vector.shape_cast %mul3A_302 : vector<16xf32> to vector<1x16xf32>
        tpu.vector_store %arg24[%swap3A_303, %swap3A_304], %swap3A_307 {strides = array<i32>} : memref<512x16xf32, #tpu.memory_space<vmem>>, vector<1x16xf32>,
      }
      %scan3A_182 = arith.constant 512 : i32
      "tpu.region"() ({
        %run_scoped3A = tpu.sem_alloc : memref<!tpu.dma_semaphore, #tpu.memory_space<semaphore_mem>>
        %dma_start3A_183 = arith.constant 0 : i32
        %dma_start3A_184 = arith.constant 0 : i32
        %dma_start3A_185 = tpu.memref_slice %arg25[%dma_start3A_183, %dma_start3A_184] : memref<50000x16xf32, #tpu.memory_space<vmem_shared>> -> memref<50000x16xf32, #tpu.memory_space<vmem_shared>>
        tpu.enqueue_indirect_dma source(%arg24 : memref<512x16xf32, #tpu.memory_space<vmem>>) target(%dma_start3A_185 : memref<50000x16xf32, #tpu.memory_space<vmem_shared>>) offsets(%arg21 : memref<512xi32, #tpu.memory_space<vmem>>) semaphore(%run_scoped3A : memref<!tpu.dma_semaphore, #tpu.memory_space<semaphore_mem>>) {add = true}
        %dma_wait3A_186 = arith.constant 0 : i32
        %dma_wait3A_187 = arith.constant 0 : i32
        %dma_wait3A_188 = tpu.memref_slice %arg25[%dma_wait3A_186, %dma_wait3A_187] : memref<50000x16xf32, #tpu.memory_space<vmem_shared>> -> memref<50000x16xf32, #tpu.memory_space<vmem_shared>>
        tpu.wait_indirect_dma semaphore(%run_scoped3A : memref<!tpu.dma_semaphore, #tpu.memory_space<semaphore_mem>>) src(%arg24 : memref<512x16xf32, #tpu.memory_space<vmem>>) dst(%dma_wait3A_188 : memref<50000x16xf32, #tpu.memory_space<vmem_shared>>)
        tpu.yield
      }) : () -> ()
    }
    %scan3A_50 = arith.constant 196 : i32
    %dma_wait3A_51 = arith.constant 0 : i32
    %dma_wait3A_52 = arith.constant 0 : i32
    %dma_wait3A_53 = tpu.memref_slice %arg6[%dma_wait3A_51, %dma_wait3A_52] : memref<65536x16xf32, #tpu.memory_space<hbm>> -> memref<65536x16xf32, #tpu.memory_space<hbm>>
    tpu.wait_indirect_dma semaphore(%arg27 : memref<!tpu.dma_semaphore, #tpu.memory_space<semaphore_mem>>) src(%dma_wait3A_53 : memref<65536x16xf32, #tpu.memory_space<hbm>>) dst(%arg14 : memref<512x16xf32, #tpu.memory_space<vmem>>)
    %dma_wait3A_54 = arith.constant 0 : i32
    %dma_wait3A_55 = arith.constant 0 : i32
    %dma_wait3A_56 = tpu.memref_slice %arg2[%dma_wait3A_54, %dma_wait3A_55] : memref<100000x16xf32, #tpu.memory_space<hbm>> -> memref<100000x16xf32, #tpu.memory_space<hbm>>
    tpu.wait_indirect_dma semaphore(%arg27 : memref<!tpu.dma_semaphore, #tpu.memory_space<semaphore_mem>>) src(%dma_wait3A_56 : memref<100000x16xf32, #tpu.memory_space<hbm>>) dst(%arg15 : memref<512x16xf32, #tpu.memory_space<vmem>>)
    %mul3A_57 = arith.constant 200704 : i32
    %mul3A_58 = arith.muli %arg1, %mul3A_57 : i32
    %add3A_59 = arith.constant 201216 : i32
    %add3A_60 = arith.addi %mul3A_58, %add3A_59 : i32
    %dma_wait3A_61 = tpu.memref_slice %arg3[%add3A_60] : memref<3212288xi32, #tpu.memory_space<hbm>> -> memref<512xi32, #tpu.memory_space<hbm>>
    %dma_wait3A_62 = tpu.memref_slice %arg3[%add3A_60] : memref<3212288xi32, #tpu.memory_space<hbm>> -> memref<512xi32, #tpu.memory_space<hbm>>
    tpu.wait_dma2 semaphore(%arg29 : memref<!tpu.dma_semaphore, #tpu.memory_space<semaphore_mem>>) src(%dma_wait3A_62 : memref<512xi32, #tpu.memory_space<hbm>>) dst(%arg17 : memref<512xi32, #tpu.memory_space<vmem>>)
    %dma_wait3A_63 = tpu.memref_slice %arg4[%add3A_60] : memref<3212288xi32, #tpu.memory_space<hbm>> -> memref<512xi32, #tpu.memory_space<hbm>>
    %dma_wait3A_64 = tpu.memref_slice %arg4[%add3A_60] : memref<3212288xi32, #tpu.memory_space<hbm>> -> memref<512xi32, #tpu.memory_space<hbm>>
    tpu.wait_dma2 semaphore(%arg29 : memref<!tpu.dma_semaphore, #tpu.memory_space<semaphore_mem>>) src(%dma_wait3A_64 : memref<512xi32, #tpu.memory_space<hbm>>) dst(%arg18 : memref<512xi32, #tpu.memory_space<vmem>>)
    %dma_wait3A_65 = tpu.memref_slice %arg5[%add3A_60] : memref<3212288xf32, #tpu.memory_space<hbm>> -> memref<512xf32, #tpu.memory_space<hbm>>
    %dma_wait3A_66 = tpu.memref_slice %arg5[%add3A_60] : memref<3212288xf32, #tpu.memory_space<hbm>> -> memref<512xf32, #tpu.memory_space<hbm>>
    tpu.wait_dma2 semaphore(%arg29 : memref<!tpu.dma_semaphore, #tpu.memory_space<semaphore_mem>>) src(%dma_wait3A_66 : memref<512xf32, #tpu.memory_space<hbm>>) dst(%arg19 : memref<512xf32, #tpu.memory_space<vmem>>)
    %barrier3A_67 = arith.constant 0 : index
    tpu.barrier barrier_id(%barrier3A_67)
    %mul3A_68 = arith.constant 3120 : i32
    %mul3A_69 = arith.muli %arg1, %mul3A_68 : i32
    %mul3A_70 = arith.constant 3120 : i32
    %mul3A_71 = arith.muli %arg1, %mul3A_70 : i32
    %add3A_72 = arith.addi %mul3A_0, %mul3A_71 : i32
    "tpu.region"() ({
      %run_scoped3A = tpu.sem_alloc : memref<!tpu.dma_semaphore, #tpu.memory_space<semaphore_mem>>
      %dma_start3A_78 = arith.constant 0 : i32
      %dma_start3A_79 = tpu.memref_slice %arg8[%add3A_72, %dma_start3A_78] : memref<100000x16xf32, #tpu.memory_space<hbm>> -> memref<3120x16xf32, #tpu.memory_space<hbm>>
      %dma_start3A_80 = arith.constant 0 : i32
      %dma_start3A_81 = tpu.memref_slice %arg25[%mul3A_69, %dma_start3A_80] : memref<50000x16xf32, #tpu.memory_space<vmem_shared>> -> memref<3120x16xf32, #tpu.memory_space<vmem_shared>>
      tpu.enqueue_dma source(%dma_start3A_81 : memref<3120x16xf32, #tpu.memory_space<vmem_shared>>) target(%dma_start3A_79 : memref<3120x16xf32, #tpu.memory_space<hbm>>) target_semaphore(%run_scoped3A : memref<!tpu.dma_semaphore, #tpu.memory_space<semaphore_mem>>)
      %dma_wait3A_82 = arith.constant 0 : i32
      %dma_wait3A_83 = tpu.memref_slice %arg8[%add3A_72, %dma_wait3A_82] : memref<100000x16xf32, #tpu.memory_space<hbm>> -> memref<3120x16xf32, #tpu.memory_space<hbm>>
      %dma_wait3A_84 = arith.constant 0 : i32
      %dma_wait3A_85 = tpu.memref_slice %arg25[%mul3A_69, %dma_wait3A_84] : memref<50000x16xf32, #tpu.memory_space<vmem_shared>> -> memref<3120x16xf32, #tpu.memory_space<vmem_shared>>
      tpu.wait_dma2 semaphore(%run_scoped3A : memref<!tpu.dma_semaphore, #tpu.memory_space<semaphore_mem>>) src(%dma_wait3A_85 : memref<3120x16xf32, #tpu.memory_space<vmem_shared>>) dst(%dma_wait3A_83 : memref<3120x16xf32, #tpu.memory_space<hbm>>)
      tpu.yield
    }) : () -> ()
    %eq3A_73 = arith.constant 15 : i32
    %eq3A_74 = arith.cmpi eq, %arg1, %eq3A_73 : i32
    %convert_element_type3A_75 = arith.extui %eq3A_74 : i1 to i32
    %cond3A_76 = arith.constant 0 : i32
    %cond3A_77 = arith.cmpi ne, %convert_element_type3A_75, %cond3A_76 : i32
    scf.if %cond3A_77 {
      %add3A_78 = arith.constant 49920 : i32
      %add3A_79 = arith.addi %mul3A_0, %add3A_78 : i32
      "tpu.region"() ({
        %run_scoped3A = tpu.sem_alloc : memref<!tpu.dma_semaphore, #tpu.memory_space<semaphore_mem>>
        %dma_start3A_80 = arith.constant 0 : i32
        %dma_start3A_81 = tpu.memref_slice %arg8[%add3A_79, %dma_start3A_80] : memref<100000x16xf32, #tpu.memory_space<hbm>> -> memref<80x16xf32, #tpu.memory_space<hbm>>
        %dma_start3A_82 = arith.constant 49920 : i32
        %dma_start3A_83 = arith.constant 0 : i32
        %dma_start3A_84 = tpu.memref_slice %arg25[%dma_start3A_82, %dma_start3A_83] : memref<50000x16xf32, #tpu.memory_space<vmem_shared>> -> memref<80x16xf32, #tpu.memory_space<vmem_shared>>
        tpu.enqueue_dma source(%dma_start3A_84 : memref<80x16xf32, #tpu.memory_space<vmem_shared>>) target(%dma_start3A_81 : memref<80x16xf32, #tpu.memory_space<hbm>>) target_semaphore(%run_scoped3A : memref<!tpu.dma_semaphore, #tpu.memory_space<semaphore_mem>>)
        %dma_wait3A_85 = arith.constant 0 : i32
        %dma_wait3A_86 = tpu.memref_slice %arg8[%add3A_79, %dma_wait3A_85] : memref<100000x16xf32, #tpu.memory_space<hbm>> -> memref<80x16xf32, #tpu.memory_space<hbm>>
        %dma_wait3A_87 = arith.constant 49920 : i32
        %dma_wait3A_88 = arith.constant 0 : i32
        %dma_wait3A_89 = tpu.memref_slice %arg25[%dma_wait3A_87, %dma_wait3A_88] : memref<50000x16xf32, #tpu.memory_space<vmem_shared>> -> memref<80x16xf32, #tpu.memory_space<vmem_shared>>
        tpu.wait_dma2 semaphore(%run_scoped3A : memref<!tpu.dma_semaphore, #tpu.memory_space<semaphore_mem>>) src(%dma_wait3A_89 : memref<80x16xf32, #tpu.memory_space<vmem_shared>>) dst(%dma_wait3A_86 : memref<80x16xf32, #tpu.memory_space<hbm>>)
        tpu.yield
      }) : () -> ()
    } else {
    }
    return
  }
}

module attributes {stable_mosaic.version = 14 : i64} {
  func.func @_pre_kernel(%arg0: i32, %arg1: memref<5000x16xf32, #tpu.memory_space<vmem>>, %arg2: memref<16x16xf32, #tpu.memory_space<vmem>>, %arg3: memref<16x16xf32, #tpu.memory_space<vmem>>, %arg4: memref<5000x16xf32, #tpu.memory_space<vmem>>, %arg5: memref<5000x16xf32, #tpu.memory_space<vmem>>) attributes {dimension_semantics = [#tpu.dimension_semantics<arbitrary>], iteration_bounds = array<i64: 20>, scalar_prefetch = 0 : i64, scratch_operands = 0 : i64, tpu.core_type = #tpu.core_type<tc>, window_params = [{transform_indices = @transform_0, window_bounds = array<i64: 5000, 16>}, {pipeline_mode = #tpu.pipeline_mode<synchronous>, transform_indices = @transform_1, window_bounds = array<i64: 16, 16>}, {pipeline_mode = #tpu.pipeline_mode<synchronous>, transform_indices = @transform_2, window_bounds = array<i64: 16, 16>}, {transform_indices = @transform_3, window_bounds = array<i64: 5000, 16>}, {transform_indices = @transform_4, window_bounds = array<i64: 5000, 16>}]} {
    %get3A = arith.constant 0 : index
    %get3A_0 = arith.constant 0 : index
    %get3A_1 = vector.load %arg1[%get3A, %get3A_0] : memref<5000x16xf32, #tpu.memory_space<vmem>>, vector<5000x16xf32>
    %get3A_2 = arith.constant 0 : index
    %get3A_3 = arith.constant 0 : index
    %get3A_4 = vector.load %arg2[%get3A_2, %get3A_3] : memref<16x16xf32, #tpu.memory_space<vmem>>, vector<16x16xf32>
    %dot_general3A = arith.constant dense<0.000000e+00> : vector<5000x16xf32>
    %dot_general3A_5 = tpu.matmul %get3A_1, %get3A_4, %dot_general3A {dimension_numbers = #tpu.dot_dimension_numbers<[1], [0], [0], [1], [0, 0, 1, 1], [], []>, transpose_lhs_hint = false} : vector<5000x16xf32>, vector<16x16xf32>, vector<5000x16xf32> -> vector<5000x16xf32>
    %mul3A = arith.constant 2.500000e-01 : f32
    %mul3A_6 = vector.broadcast %mul3A : f32 to vector<5000x16xf32>
    %mul3A_7 = arith.mulf %dot_general3A_5, %mul3A_6 : vector<5000x16xf32>
    %swap3A = arith.constant 0 : index
    %swap3A_8 = arith.constant 0 : index
    %swap3A_9 = vector.load %arg4[%swap3A, %swap3A_8] : memref<5000x16xf32, #tpu.memory_space<vmem>>, vector<5000x16xf32>
    tpu.vector_store %arg4[%swap3A, %swap3A_8], %mul3A_7 {strides = array<i32>} : memref<5000x16xf32, #tpu.memory_space<vmem>>, vector<5000x16xf32>,
    %get3A_10 = arith.constant 0 : index
    %get3A_11 = arith.constant 0 : index
    %get3A_12 = vector.load %arg3[%get3A_10, %get3A_11] : memref<16x16xf32, #tpu.memory_space<vmem>>, vector<16x16xf32>
    %dot_general3A_13 = arith.constant dense<0.000000e+00> : vector<5000x16xf32>
    %dot_general3A_14 = tpu.matmul %get3A_1, %get3A_12, %dot_general3A_13 {dimension_numbers = #tpu.dot_dimension_numbers<[1], [0], [0], [1], [0, 0, 1, 1], [], []>, transpose_lhs_hint = false} : vector<5000x16xf32>, vector<16x16xf32>, vector<5000x16xf32> -> vector<5000x16xf32>
    %mul3A_15 = arith.constant 0.0956708565 : f32
    %mul3A_16 = vector.broadcast %mul3A_15 : f32 to vector<5000x16xf32>
    %mul3A_17 = arith.mulf %dot_general3A_14, %mul3A_16 : vector<5000x16xf32>
    %swap3A_18 = arith.constant 0 : index
    %swap3A_19 = arith.constant 0 : index
    %swap3A_20 = vector.load %arg5[%swap3A_18, %swap3A_19] : memref<5000x16xf32, #tpu.memory_space<vmem>>, vector<5000x16xf32>
    tpu.vector_store %arg5[%swap3A_18, %swap3A_19], %mul3A_17 {strides = array<i32>} : memref<5000x16xf32, #tpu.memory_space<vmem>>, vector<5000x16xf32>,
    return
  }
  func.func @transform_0(%arg0: i32) -> (i32, i32) {
    %c0_i32 = arith.constant 0 : i32
    %c0_i32_0 = arith.constant 0 : i32
    return %arg0, %c0_i32 : i32, i32
  }
  func.func @transform_1(%arg0: i32) -> (i32, i32) {
    %c0_i32 = arith.constant 0 : i32
    %c0_i32_0 = arith.constant 0 : i32
    %c0_i32_1 = arith.constant 0 : i32
    return %c0_i32, %c0_i32_0 : i32, i32
  }
  func.func @transform_2(%arg0: i32) -> (i32, i32) {
    %c0_i32 = arith.constant 0 : i32
    %c0_i32_0 = arith.constant 0 : i32
    %c0_i32_1 = arith.constant 0 : i32
    return %c0_i32, %c0_i32_0 : i32, i32
  }
  func.func @transform_3(%arg0: i32) -> (i32, i32) {
    %c0_i32 = arith.constant 0 : i32
    %c0_i32_0 = arith.constant 0 : i32
    return %arg0, %c0_i32 : i32, i32
  }
  func.func @transform_4(%arg0: i32) -> (i32, i32) {
    %c0_i32 = arith.constant 0 : i32
    %c0_i32_0 = arith.constant 0 : i32
    return %arg0, %c0_i32 : i32, i32
  }
}

module attributes {stable_mosaic.version = 14 : i64} {
  func.func @_edge_s_kernel(%arg0: i32, %arg1: memref<5120x3xf32, #tpu.memory_space<vmem>>, %arg2: memref<5120xf32, #tpu.memory_space<vmem>>) attributes {dimension_semantics = [#tpu.dimension_semantics<arbitrary>], iteration_bounds = array<i64: 625>, scalar_prefetch = 0 : i64, scratch_operands = 0 : i64, tpu.core_type = #tpu.core_type<tc>, window_params = [{transform_indices = @transform_0, window_bounds = array<i64: 5120, 3>}, {transform_indices = @transform_1, window_bounds = array<i64: 5120>}]} {
    %get3A = arith.constant 0 : index
    %get3A_0 = arith.constant 0 : index
    %get3A_1 = vector.load %arg1[%get3A, %get3A_0] : memref<5120x3xf32, #tpu.memory_space<vmem>>, vector<5120x3xf32>
    %mul3A = arith.mulf %get3A_1, %get3A_1 : vector<5120x3xf32>
    %reduce_sum3A = arith.constant dense<0.000000e+00> : vector<5120xf32>
    %reduce_sum3A_2 = vector.multi_reduction <add>, %mul3A, %reduce_sum3A [1] : vector<5120x3xf32> to vector<5120xf32>
    %swap3A = arith.constant 0 : index
    %swap3A_3 = vector.load %arg2[%swap3A] : memref<5120xf32, #tpu.memory_space<vmem>>, vector<5120xf32>
    tpu.vector_store %arg2[%swap3A], %reduce_sum3A_2 {strides = array<i32>} : memref<5120xf32, #tpu.memory_space<vmem>>, vector<5120xf32>,
    return
  }
  func.func @transform_0(%arg0: i32) -> (i32, i32) {
    %c0_i32 = arith.constant 0 : i32
    %c0_i32_0 = arith.constant 0 : i32
    return %arg0, %c0_i32 : i32, i32
  }
  func.func @transform_1(%arg0: i32) -> i32 {
    %c0_i32 = arith.constant 0 : i32
    return %arg0 : i32
  }
}

module attributes {stable_mosaic.version = 14 : i64} {
  func.func @_table_kernel(%arg0: i32, %arg1: i32, %arg2: memref<1x10x100xf32, #tpu.memory_space<vmem>>, %arg3: memref<1x100x16xf32, #tpu.memory_space<vmem>>, %arg4: memref<1x8192x16xf32, #tpu.memory_space<vmem>>) attributes {dimension_semantics = [#tpu.dimension_semantics<arbitrary>, #tpu.dimension_semantics<arbitrary>], iteration_bounds = array<i64: 3, 8>, scalar_prefetch = 0 : i64, scratch_operands = 0 : i64, tpu.core_type = #tpu.core_type<tc>, window_params = [{transform_indices = @transform_0, window_bounds = array<i64: 1, 10, 100>}, {transform_indices = @transform_1, window_bounds = array<i64: 1, 100, 16>}, {transform_indices = @transform_2, window_bounds = array<i64: 1, 8192, 16>}]} {
    %mul3A = arith.constant 8192 : i32
    %mul3A_0 = arith.muli %arg1, %mul3A : i32
    %iota3A = tpu.iota {dimensions = array<i32: 0>} : vector<8192x1xi32>
    %add3A = vector.broadcast %mul3A_0 : i32 to vector<8192x1xi32>
    %add3A_1 = arith.addi %iota3A, %add3A : vector<8192x1xi32>
    %convert_element_type3A = arith.sitofp %add3A_1 : vector<8192x1xi32> to vector<8192x1xf32>
    %mul3A_2 = arith.constant 1.86923018E-4 : f32
    %mul3A_3 = vector.broadcast %mul3A_2 : f32 to vector<8192x1xf32>
    %mul3A_4 = arith.mulf %convert_element_type3A, %mul3A_3 : vector<8192x1xf32>
    %sqrt3A = math.sqrt %mul3A_4 : vector<8192x1xf32>
    %iota3A_5 = tpu.iota {dimensions = array<i32: 1>} : vector<8192x10xi32>
    %convert_element_type3A_6 = arith.sitofp %iota3A_5 : vector<8192x10xi32> to vector<8192x10xf32>
    %mul3A_7 = arith.constant 0.388888896 : f32
    %mul3A_8 = vector.broadcast %mul3A_7 : f32 to vector<8192x10xf32>
    %mul3A_9 = arith.mulf %convert_element_type3A_6, %mul3A_8 : vector<8192x10xf32>
    %sub3A = vector.broadcast %sqrt3A : vector<8192x1xf32> to vector<8192x10xf32>
    %sub3A_10 = arith.subf %sub3A, %mul3A_9 : vector<8192x10xf32>
    %div3A = arith.constant 0.388888896 : f32
    %div3A_11 = vector.broadcast %div3A : f32 to vector<8192x10xf32>
    %div3A_12 = arith.divf %sub3A_10, %div3A_11 : vector<8192x10xf32>
    %mul3A_13 = arith.mulf %div3A_12, %div3A_12 : vector<8192x10xf32>
    %neg3A = arith.constant 0.000000e+00 : f32
    %neg3A_14 = vector.broadcast %neg3A : f32 to vector<8192x10xf32>
    %neg3A_15 = arith.subf %neg3A_14, %mul3A_13 : vector<8192x10xf32>
    %exp3A = math.exp %neg3A_15 : vector<8192x10xf32>
    %mul3A_16 = arith.constant 2.82346225 : f32
    %mul3A_17 = vector.broadcast %mul3A_16 : f32 to vector<8192x10xf32>
    %mul3A_18 = arith.mulf %exp3A, %mul3A_17 : vector<8192x10xf32>
    %div3A_19 = arith.constant 3.500000e+00 : f32
    %div3A_20 = vector.broadcast %div3A_19 : f32 to vector<8192x1xf32>
    %div3A_21 = arith.divf %sqrt3A, %div3A_20 : vector<8192x1xf32>
    %sub3A_22 = arith.constant 1.000000e+00 : f32
    %sub3A_23 = vector.broadcast %sub3A_22 : f32 to vector<8192x1xf32>
    %sub3A_24 = arith.subf %div3A_21, %sub3A_23 : vector<8192x1xf32>
    %mul3A_25 = arith.constant 2.000000e+00 : f32
    %mul3A_26 = vector.broadcast %mul3A_25 : f32 to vector<8192x1xf32>
    %mul3A_27 = arith.mulf %mul3A_26, %sub3A_24 : vector<8192x1xf32>
    %mul3A_28 = arith.constant 3.14159274 : f32
    %mul3A_29 = vector.broadcast %mul3A_28 : f32 to vector<8192x1xf32>
    %mul3A_30 = arith.mulf %mul3A_29, %mul3A_27 : vector<8192x1xf32>
    %cos3A = math.cos %mul3A_30 : vector<8192x1xf32>
    %sub3A_31 = arith.constant 1.000000e+00 : f32
    %sub3A_32 = vector.broadcast %sub3A_31 : f32 to vector<8192x1xf32>
    %sub3A_33 = arith.subf %sub3A_32, %cos3A : vector<8192x1xf32>
    %mul3A_34 = arith.constant 5.000000e-01 : f32
    %mul3A_35 = vector.broadcast %mul3A_34 : f32 to vector<8192x1xf32>
    %mul3A_36 = arith.mulf %sub3A_33, %mul3A_35 : vector<8192x1xf32>
    %gt3A = arith.constant 0.000000e+00 : f32
    %gt3A_37 = vector.broadcast %gt3A : f32 to vector<8192x1xf32>
    %gt3A_38 = arith.cmpf ogt, %mul3A_27, %gt3A_37 : vector<8192x1xf32>
    %jit3A = arith.constant 0.000000e+00 : f32
    %broadcast_in_dim3A = vector.broadcast %jit3A : f32 to vector<8192x1xf32>
    %select_n3A = arith.select %gt3A_38, %broadcast_in_dim3A, %mul3A_36 : vector<8192x1xi1>, vector<8192x1xf32>
    %lt3A = arith.constant -1.000000e+00 : f32
    %lt3A_39 = vector.broadcast %lt3A : f32 to vector<8192x1xf32>
    %lt3A_40 = arith.cmpf olt, %mul3A_27, %lt3A_39 : vector<8192x1xf32>
    %jit3A_41 = arith.constant 1.000000e+00 : f32
    %broadcast_in_dim3A_42 = vector.broadcast %jit3A_41 : f32 to vector<8192x1xf32>
    %select_n3A_43 = arith.select %lt3A_40, %broadcast_in_dim3A_42, %select_n3A : vector<8192x1xi1>, vector<8192x1xf32>
    %get3A = arith.constant 0 : index
    %get3A_44 = arith.constant 0 : index
    %get3A_45 = arith.constant 0 : index
    %get3A_46 = vector.load %arg2[%get3A, %get3A_44, %get3A_45] : memref<1x10x100xf32, #tpu.memory_space<vmem>>, vector<1x10x100xf32>
    %get3A_47 = vector.shape_cast %get3A_46 : vector<1x10x100xf32> to vector<10x100xf32>
    %dot_general3A = arith.constant dense<0.000000e+00> : vector<8192x100xf32>
    %dot_general3A_48 = tpu.matmul %mul3A_18, %get3A_47, %dot_general3A {dimension_numbers = #tpu.dot_dimension_numbers<[1], [0], [0], [1], [0, 0, 1, 1], [], []>, transpose_lhs_hint = false} : vector<8192x10xf32>, vector<10x100xf32>, vector<8192x100xf32> -> vector<8192x100xf32>
    %mul3A_49 = arith.constant 0.316227764 : f32
    %mul3A_50 = vector.broadcast %mul3A_49 : f32 to vector<8192x100xf32>
    %mul3A_51 = arith.mulf %dot_general3A_48, %mul3A_50 : vector<8192x100xf32>
    %logistic3A = arith.negf %mul3A_51 : vector<8192x100xf32>
    %logistic3A_52 = math.exp %logistic3A : vector<8192x100xf32>
    %logistic3A_53 = arith.constant 1.000000e+00 : f32
    %logistic3A_54 = vector.broadcast %logistic3A_53 : f32 to vector<8192x100xf32>
    %logistic3A_55 = arith.addf %logistic3A_54, %logistic3A_52 : vector<8192x100xf32>
    %logistic3A_56 = arith.divf %logistic3A_54, %logistic3A_55 : vector<8192x100xf32>
    %mul3A_57 = arith.mulf %mul3A_51, %logistic3A_56 : vector<8192x100xf32>
    %mul3A_58 = arith.constant 1.67905903 : f32
    %mul3A_59 = vector.broadcast %mul3A_58 : f32 to vector<8192x100xf32>
    %mul3A_60 = arith.mulf %mul3A_57, %mul3A_59 : vector<8192x100xf32>
    %get3A_61 = arith.constant 0 : index
    %get3A_62 = arith.constant 0 : index
    %get3A_63 = arith.constant 0 : index
    %get3A_64 = vector.load %arg3[%get3A_61, %get3A_62, %get3A_63] : memref<1x100x16xf32, #tpu.memory_space<vmem>>, vector<1x100x16xf32>
    %get3A_65 = vector.shape_cast %get3A_64 : vector<1x100x16xf32> to vector<100x16xf32>
    %dot_general3A_66 = arith.constant dense<0.000000e+00> : vector<8192x16xf32>
    %dot_general3A_67 = tpu.matmul %mul3A_60, %get3A_65, %dot_general3A_66 {dimension_numbers = #tpu.dot_dimension_numbers<[1], [0], [0], [1], [0, 0, 1, 1], [], []>, transpose_lhs_hint = false} : vector<8192x100xf32>, vector<100x16xf32>, vector<8192x16xf32> -> vector<8192x16xf32>
    %mul3A_68 = arith.constant 1.000000e-01 : f32
    %mul3A_69 = vector.broadcast %mul3A_68 : f32 to vector<8192x16xf32>
    %mul3A_70 = arith.mulf %dot_general3A_67, %mul3A_69 : vector<8192x16xf32>
    %mul3A_71 = vector.broadcast %select_n3A_43 : vector<8192x1xf32> to vector<8192x16xf32>
    %mul3A_72 = arith.mulf %mul3A_70, %mul3A_71 : vector<8192x16xf32>
    %mul3A_73 = arith.constant 0.176776692 : f32
    %mul3A_74 = vector.broadcast %mul3A_73 : f32 to vector<8192x16xf32>
    %mul3A_75 = arith.mulf %mul3A_72, %mul3A_74 : vector<8192x16xf32>
    %swap3A = arith.constant 0 : index
    %swap3A_76 = arith.constant 0 : index
    %swap3A_77 = arith.constant 0 : index
    %swap3A_78 = vector.load %arg4[%swap3A, %swap3A_76, %swap3A_77] : memref<1x8192x16xf32, #tpu.memory_space<vmem>>, vector<1x8192x16xf32>
    %swap3A_79 = vector.shape_cast %swap3A_78 : vector<1x8192x16xf32> to vector<8192x16xf32>
    %swap3A_80 = vector.shape_cast %mul3A_75 : vector<8192x16xf32> to vector<1x8192x16xf32>
    tpu.vector_store %arg4[%swap3A, %swap3A_76, %swap3A_77], %swap3A_80 {strides = array<i32>} : memref<1x8192x16xf32, #tpu.memory_space<vmem>>, vector<1x8192x16xf32>,
    return
  }
  func.func @transform_0(%arg0: i32, %arg1: i32) -> (i32, i32, i32) {
    %c0_i32 = arith.constant 0 : i32
    %c0_i32_0 = arith.constant 0 : i32
    %c0_i32_1 = arith.constant 0 : i32
    return %arg0, %c0_i32, %c0_i32_0 : i32, i32, i32
  }
  func.func @transform_1(%arg0: i32, %arg1: i32) -> (i32, i32, i32) {
    %c0_i32 = arith.constant 0 : i32
    %c0_i32_0 = arith.constant 0 : i32
    %c0_i32_1 = arith.constant 0 : i32
    return %arg0, %c0_i32, %c0_i32_0 : i32, i32, i32
  }
  func.func @transform_2(%arg0: i32, %arg1: i32) -> (i32, i32, i32) {
    %c0_i32 = arith.constant 0 : i32
    %c0_i32_0 = arith.constant 0 : i32
    return %arg0, %arg1, %c0_i32 : i32, i32, i32
  }
}

module attributes {stable_mosaic.version = 14 : i64} {
  func.func @_q1_kernel(%arg0: i32, %arg1: memref<5000x16xf32, #tpu.memory_space<vmem>>, %arg2: memref<5000x16xf32, #tpu.memory_space<vmem>>, %arg3: memref<16x16xf32, #tpu.memory_space<vmem>>, %arg4: memref<5000x16xf32, #tpu.memory_space<vmem>>, %arg5: memref<8x16xf32, #tpu.memory_space<vmem>>) attributes {dimension_semantics = [#tpu.dimension_semantics<arbitrary>], iteration_bounds = array<i64: 20>, scalar_prefetch = 0 : i64, scratch_operands = 0 : i64, tpu.core_type = #tpu.core_type<tc>, window_params = [{transform_indices = @transform_0, window_bounds = array<i64: 5000, 16>}, {transform_indices = @transform_1, window_bounds = array<i64: 5000, 16>}, {pipeline_mode = #tpu.pipeline_mode<synchronous>, transform_indices = @transform_2, window_bounds = array<i64: 16, 16>}, {transform_indices = @transform_3, window_bounds = array<i64: 5000, 16>}, {pipeline_mode = #tpu.pipeline_mode<synchronous>, transform_indices = @transform_4, window_bounds = array<i64: 8, 16>}]} {
    %get3A = arith.constant 0 : index
    %get3A_0 = arith.constant 0 : index
    %get3A_1 = vector.load %arg2[%get3A, %get3A_0] : memref<5000x16xf32, #tpu.memory_space<vmem>>, vector<5000x16xf32>
    %get3A_2 = arith.constant 0 : index
    %get3A_3 = arith.constant 0 : index
    %get3A_4 = vector.load %arg1[%get3A_2, %get3A_3] : memref<5000x16xf32, #tpu.memory_space<vmem>>, vector<5000x16xf32>
    %get3A_5 = arith.constant 0 : index
    %get3A_6 = arith.constant 0 : index
    %get3A_7 = vector.load %arg3[%get3A_5, %get3A_6] : memref<16x16xf32, #tpu.memory_space<vmem>>, vector<16x16xf32>
    %dot_general3A = arith.constant dense<0.000000e+00> : vector<5000x16xf32>
    %dot_general3A_8 = tpu.matmul %get3A_4, %get3A_7, %dot_general3A {dimension_numbers = #tpu.dot_dimension_numbers<[1], [0], [0], [1], [0, 0, 1, 1], [], []>, transpose_lhs_hint = false} : vector<5000x16xf32>, vector<16x16xf32>, vector<5000x16xf32> -> vector<5000x16xf32>
    %mul3A = arith.constant 0.230969876 : f32
    %mul3A_9 = vector.broadcast %mul3A : f32 to vector<5000x16xf32>
    %mul3A_10 = arith.mulf %dot_general3A_8, %mul3A_9 : vector<5000x16xf32>
    %add3A = arith.addf %get3A_1, %mul3A_10 : vector<5000x16xf32>
    %logistic3A = arith.negf %add3A : vector<5000x16xf32>
    %logistic3A_11 = math.exp %logistic3A : vector<5000x16xf32>
    %logistic3A_12 = arith.constant 1.000000e+00 : f32
    %logistic3A_13 = vector.broadcast %logistic3A_12 : f32 to vector<5000x16xf32>
    %logistic3A_14 = arith.addf %logistic3A_13, %logistic3A_11 : vector<5000x16xf32>
    %logistic3A_15 = arith.divf %logistic3A_13, %logistic3A_14 : vector<5000x16xf32>
    %mul3A_16 = arith.mulf %add3A, %logistic3A_15 : vector<5000x16xf32>
    %mul3A_17 = arith.constant 1.67905903 : f32
    %mul3A_18 = vector.broadcast %mul3A_17 : f32 to vector<5000x16xf32>
    %mul3A_19 = arith.mulf %mul3A_16, %mul3A_18 : vector<5000x16xf32>
    %swap3A = arith.constant 0 : index
    %swap3A_20 = arith.constant 0 : index
    %swap3A_21 = vector.load %arg4[%swap3A, %swap3A_20] : memref<5000x16xf32, #tpu.memory_space<vmem>>, vector<5000x16xf32>
    tpu.vector_store %arg4[%swap3A, %swap3A_20], %mul3A_19 {strides = array<i32>} : memref<5000x16xf32, #tpu.memory_space<vmem>>, vector<5000x16xf32>,
    %reduce_sum3A = arith.constant dense<0.000000e+00> : vector<16xf32>
    %reduce_sum3A_22 = vector.multi_reduction <add>, %mul3A_19, %reduce_sum3A [0] : vector<5000x16xf32> to vector<16xf32>
    %mul3A_23 = arith.mulf %mul3A_19, %mul3A_19 : vector<5000x16xf32>
    %reduce_sum3A_24 = arith.constant dense<0.000000e+00> : vector<16xf32>
    %reduce_sum3A_25 = vector.multi_reduction <add>, %mul3A_23, %reduce_sum3A_24 [0] : vector<5000x16xf32> to vector<16xf32>
    %broadcast_in_dim3A = vector.shape_cast %reduce_sum3A_22 : vector<16xf32> to vector<1x16xf32>
    %broadcast_in_dim3A_26 = vector.shape_cast %reduce_sum3A_25 : vector<16xf32> to vector<1x16xf32>
    %broadcast_in_dim3A_27 = arith.constant 0.000000e+00 : f32
    %broadcast_in_dim3A_28 = vector.broadcast %broadcast_in_dim3A_27 : f32 to vector<6x16xf32>
    %concatenate3A = tpu.concatenate %broadcast_in_dim3A, %broadcast_in_dim3A_26, %broadcast_in_dim3A_28 in 0 : vector<1x16xf32>, vector<1x16xf32>, vector<6x16xf32> -> vector<8x16xf32>
    %eq3A = arith.constant 0 : i32
    %eq3A_29 = arith.cmpi eq, %arg0, %eq3A : i32
    %convert_element_type3A = arith.extui %eq3A_29 : i1 to i32
    %cond3A = arith.constant 0 : i32
    %cond3A_30 = arith.cmpi ne, %convert_element_type3A, %cond3A : i32
    scf.if %cond3A_30 {
      %broadcast_in_dim3A_38 = arith.constant 0.000000e+00 : f32
      %broadcast_in_dim3A_39 = vector.broadcast %broadcast_in_dim3A_38 : f32 to vector<8x16xf32>
      %swap3A_40 = arith.constant 0 : index
      %swap3A_41 = arith.constant 0 : index
      %swap3A_42 = vector.load %arg5[%swap3A_40, %swap3A_41] : memref<8x16xf32, #tpu.memory_space<vmem>>, vector<8x16xf32>
      tpu.vector_store %arg5[%swap3A_40, %swap3A_41], %broadcast_in_dim3A_39 {strides = array<i32>} : memref<8x16xf32, #tpu.memory_space<vmem>>, vector<8x16xf32>,
    } else {
    }
    %get3A_31 = arith.constant 0 : index
    %get3A_32 = arith.constant 0 : index
    %get3A_33 = vector.load %arg5[%get3A_31, %get3A_32] : memref<8x16xf32, #tpu.memory_space<vmem>>, vector<8x16xf32>
    %add3A_34 = arith.addf %get3A_33, %concatenate3A : vector<8x16xf32>
    %swap3A_35 = arith.constant 0 : index
    %swap3A_36 = arith.constant 0 : index
    %swap3A_37 = vector.load %arg5[%swap3A_35, %swap3A_36] : memref<8x16xf32, #tpu.memory_space<vmem>>, vector<8x16xf32>
    tpu.vector_store %arg5[%swap3A_35, %swap3A_36], %add3A_34 {strides = array<i32>} : memref<8x16xf32, #tpu.memory_space<vmem>>, vector<8x16xf32>,
    return
  }
  func.func @transform_0(%arg0: i32) -> (i32, i32) {
    %c0_i32 = arith.constant 0 : i32
    %c0_i32_0 = arith.constant 0 : i32
    return %arg0, %c0_i32 : i32, i32
  }
  func.func @transform_1(%arg0: i32) -> (i32, i32) {
    %c0_i32 = arith.constant 0 : i32
    %c0_i32_0 = arith.constant 0 : i32
    return %arg0, %c0_i32 : i32, i32
  }
  func.func @transform_2(%arg0: i32) -> (i32, i32) {
    %c0_i32 = arith.constant 0 : i32
    %c0_i32_0 = arith.constant 0 : i32
    %c0_i32_1 = arith.constant 0 : i32
    return %c0_i32, %c0_i32_0 : i32, i32
  }
  func.func @transform_3(%arg0: i32) -> (i32, i32) {
    %c0_i32 = arith.constant 0 : i32
    %c0_i32_0 = arith.constant 0 : i32
    return %arg0, %c0_i32 : i32, i32
  }
  func.func @transform_4(%arg0: i32) -> (i32, i32) {
    %c0_i32 = arith.constant 0 : i32
    %c0_i32_0 = arith.constant 0 : i32
    %c0_i32_1 = arith.constant 0 : i32
    return %c0_i32, %c0_i32_0 : i32, i32
  }
}

module attributes {stable_mosaic.version = 14 : i64} {
  func.func @_q2p_kernel(%arg0: i32, %arg1: memref<5000x16xf32, #tpu.memory_space<vmem>>, %arg2: memref<5000x16xf32, #tpu.memory_space<vmem>>, %arg3: memref<8x16xf32, #tpu.memory_space<vmem>>, %arg4: memref<1x16xf32, #tpu.memory_space<vmem>>, %arg5: memref<1x16xf32, #tpu.memory_space<vmem>>, %arg6: memref<16x16xf32, #tpu.memory_space<vmem>>, %arg7: memref<16x16xf32, #tpu.memory_space<vmem>>, %arg8: memref<5000x16xf32, #tpu.memory_space<vmem>>, %arg9: memref<5000x16xf32, #tpu.memory_space<vmem>>, %arg10: memref<5000x16xf32, #tpu.memory_space<vmem>>) attributes {dimension_semantics = [#tpu.dimension_semantics<arbitrary>], iteration_bounds = array<i64: 20>, scalar_prefetch = 0 : i64, scratch_operands = 0 : i64, tpu.core_type = #tpu.core_type<tc>, window_params = [{transform_indices = @transform_0, window_bounds = array<i64: 5000, 16>}, {transform_indices = @transform_1, window_bounds = array<i64: 5000, 16>}, {pipeline_mode = #tpu.pipeline_mode<synchronous>, transform_indices = @transform_2, window_bounds = array<i64: 8, 16>}, {pipeline_mode = #tpu.pipeline_mode<synchronous>, transform_indices = @transform_3, window_bounds = array<i64: 1, 16>}, {pipeline_mode = #tpu.pipeline_mode<synchronous>, transform_indices = @transform_4, window_bounds = array<i64: 1, 16>}, {pipeline_mode = #tpu.pipeline_mode<synchronous>, transform_indices = @transform_5, window_bounds = array<i64: 16, 16>}, {pipeline_mode = #tpu.pipeline_mode<synchronous>, transform_indices = @transform_6, window_bounds = array<i64: 16, 16>}, {transform_indices = @transform_7, window_bounds = array<i64: 5000, 16>}, {transform_indices = @transform_8, window_bounds = array<i64: 5000, 16>}, {transform_indices = @transform_9, window_bounds = array<i64: 5000, 16>}]} {
    %get3A = arith.constant 0 : index
    %get3A_0 = arith.constant 0 : index
    %get3A_1 = vector.load %arg3[%get3A, %get3A_0] : memref<8x16xf32, #tpu.memory_space<vmem>>, vector<1x16xf32>
    %mul3A = arith.constant 9.99999974E-6 : f32
    %mul3A_2 = vector.broadcast %mul3A : f32 to vector<1x16xf32>
    %mul3A_3 = arith.mulf %get3A_1, %mul3A_2 : vector<1x16xf32>
    %get3A_4 = arith.constant 1 : index
    %get3A_5 = arith.constant 0 : index
    %get3A_6 = vector.load %arg3[%get3A_4, %get3A_5] : memref<8x16xf32, #tpu.memory_space<vmem>>, vector<1x16xf32>
    %mul3A_7 = arith.constant 9.99999974E-6 : f32
    %mul3A_8 = vector.broadcast %mul3A_7 : f32 to vector<1x16xf32>
    %mul3A_9 = arith.mulf %get3A_6, %mul3A_8 : vector<1x16xf32>
    %mul3A_10 = arith.mulf %mul3A_3, %mul3A_3 : vector<1x16xf32>
    %sub3A = arith.subf %mul3A_9, %mul3A_10 : vector<1x16xf32>
    %add3A = arith.constant 9.99999974E-6 : f32
    %add3A_11 = vector.broadcast %add3A : f32 to vector<1x16xf32>
    %add3A_12 = arith.addf %sub3A, %add3A_11 : vector<1x16xf32>
    %rsqrt3A = math.rsqrt %add3A_12 : vector<1x16xf32>
    %get3A_13 = arith.constant 0 : index
    %get3A_14 = arith.constant 0 : index
    %get3A_15 = vector.load %arg1[%get3A_13, %get3A_14] : memref<5000x16xf32, #tpu.memory_space<vmem>>, vector<5000x16xf32>
    %sub3A_16 = vector.broadcast %mul3A_3 : vector<1x16xf32> to vector<5000x16xf32>
    %sub3A_17 = arith.subf %get3A_15, %sub3A_16 : vector<5000x16xf32>
    %mul3A_18 = vector.broadcast %rsqrt3A : vector<1x16xf32> to vector<5000x16xf32>
    %mul3A_19 = arith.mulf %sub3A_17, %mul3A_18 : vector<5000x16xf32>
    %get3A_20 = arith.constant 0 : index
    %get3A_21 = arith.constant 0 : index
    %get3A_22 = vector.load %arg4[%get3A_20, %get3A_21] : memref<1x16xf32, #tpu.memory_space<vmem>>, vector<1x16xf32>
    %mul3A_23 = vector.broadcast %get3A_22 : vector<1x16xf32> to vector<5000x16xf32>
    %mul3A_24 = arith.mulf %mul3A_19, %mul3A_23 : vector<5000x16xf32>
    %get3A_25 = arith.constant 0 : index
    %get3A_26 = arith.constant 0 : index
    %get3A_27 = vector.load %arg5[%get3A_25, %get3A_26] : memref<1x16xf32, #tpu.memory_space<vmem>>, vector<1x16xf32>
    %add3A_28 = vector.broadcast %get3A_27 : vector<1x16xf32> to vector<5000x16xf32>
    %add3A_29 = arith.addf %mul3A_24, %add3A_28 : vector<5000x16xf32>
    %get3A_30 = arith.constant 0 : index
    %get3A_31 = arith.constant 0 : index
    %get3A_32 = vector.load %arg2[%get3A_30, %get3A_31] : memref<5000x16xf32, #tpu.memory_space<vmem>>, vector<5000x16xf32>
    %add3A_33 = arith.addf %add3A_29, %get3A_32 : vector<5000x16xf32>
    %swap3A = arith.constant 0 : index
    %swap3A_34 = arith.constant 0 : index
    %swap3A_35 = vector.load %arg8[%swap3A, %swap3A_34] : memref<5000x16xf32, #tpu.memory_space<vmem>>, vector<5000x16xf32>
    tpu.vector_store %arg8[%swap3A, %swap3A_34], %add3A_33 {strides = array<i32>} : memref<5000x16xf32, #tpu.memory_space<vmem>>, vector<5000x16xf32>,
    %get3A_36 = arith.constant 0 : index
    %get3A_37 = arith.constant 0 : index
    %get3A_38 = vector.load %arg6[%get3A_36, %get3A_37] : memref<16x16xf32, #tpu.memory_space<vmem>>, vector<16x16xf32>
    %dot_general3A = arith.constant dense<0.000000e+00> : vector<5000x16xf32>
    %dot_general3A_39 = tpu.matmul %add3A_33, %get3A_38, %dot_general3A {dimension_numbers = #tpu.dot_dimension_numbers<[1], [0], [0], [1], [0, 0, 1, 1], [], []>, transpose_lhs_hint = false} : vector<5000x16xf32>, vector<16x16xf32>, vector<5000x16xf32> -> vector<5000x16xf32>
    %mul3A_40 = arith.constant 2.500000e-01 : f32
    %mul3A_41 = vector.broadcast %mul3A_40 : f32 to vector<5000x16xf32>
    %mul3A_42 = arith.mulf %dot_general3A_39, %mul3A_41 : vector<5000x16xf32>
    %swap3A_43 = arith.constant 0 : index
    %swap3A_44 = arith.constant 0 : index
    %swap3A_45 = vector.load %arg9[%swap3A_43, %swap3A_44] : memref<5000x16xf32, #tpu.memory_space<vmem>>, vector<5000x16xf32>
    tpu.vector_store %arg9[%swap3A_43, %swap3A_44], %mul3A_42 {strides = array<i32>} : memref<5000x16xf32, #tpu.memory_space<vmem>>, vector<5000x16xf32>,
    %get3A_46 = arith.constant 0 : index
    %get3A_47 = arith.constant 0 : index
    %get3A_48 = vector.load %arg7[%get3A_46, %get3A_47] : memref<16x16xf32, #tpu.memory_space<vmem>>, vector<16x16xf32>
    %dot_general3A_49 = arith.constant dense<0.000000e+00> : vector<5000x16xf32>
    %dot_general3A_50 = tpu.matmul %add3A_33, %get3A_48, %dot_general3A_49 {dimension_numbers = #tpu.dot_dimension_numbers<[1], [0], [0], [1], [0, 0, 1, 1], [], []>, transpose_lhs_hint = false} : vector<5000x16xf32>, vector<16x16xf32>, vector<5000x16xf32> -> vector<5000x16xf32>
    %mul3A_51 = arith.constant 0.0956708565 : f32
    %mul3A_52 = vector.broadcast %mul3A_51 : f32 to vector<5000x16xf32>
    %mul3A_53 = arith.mulf %dot_general3A_50, %mul3A_52 : vector<5000x16xf32>
    %swap3A_54 = arith.constant 0 : index
    %swap3A_55 = arith.constant 0 : index
    %swap3A_56 = vector.load %arg10[%swap3A_54, %swap3A_55] : memref<5000x16xf32, #tpu.memory_space<vmem>>, vector<5000x16xf32>
    tpu.vector_store %arg10[%swap3A_54, %swap3A_55], %mul3A_53 {strides = array<i32>} : memref<5000x16xf32, #tpu.memory_space<vmem>>, vector<5000x16xf32>,
    return
  }
  func.func @transform_0(%arg0: i32) -> (i32, i32) {
    %c0_i32 = arith.constant 0 : i32
    %c0_i32_0 = arith.constant 0 : i32
    return %arg0, %c0_i32 : i32, i32
  }
  func.func @transform_1(%arg0: i32) -> (i32, i32) {
    %c0_i32 = arith.constant 0 : i32
    %c0_i32_0 = arith.constant 0 : i32
    return %arg0, %c0_i32 : i32, i32
  }
  func.func @transform_2(%arg0: i32) -> (i32, i32) {
    %c0_i32 = arith.constant 0 : i32
    %c0_i32_0 = arith.constant 0 : i32
    %c0_i32_1 = arith.constant 0 : i32
    return %c0_i32, %c0_i32_0 : i32, i32
  }
  func.func @transform_3(%arg0: i32) -> (i32, i32) {
    %c0_i32 = arith.constant 0 : i32
    %c0_i32_0 = arith.constant 0 : i32
    %c0_i32_1 = arith.constant 0 : i32
    return %c0_i32, %c0_i32_0 : i32, i32
  }
  func.func @transform_4(%arg0: i32) -> (i32, i32) {
    %c0_i32 = arith.constant 0 : i32
    %c0_i32_0 = arith.constant 0 : i32
    %c0_i32_1 = arith.constant 0 : i32
    return %c0_i32, %c0_i32_0 : i32, i32
  }
  func.func @transform_5(%arg0: i32) -> (i32, i32) {
    %c0_i32 = arith.constant 0 : i32
    %c0_i32_0 = arith.constant 0 : i32
    %c0_i32_1 = arith.constant 0 : i32
    return %c0_i32, %c0_i32_0 : i32, i32
  }
  func.func @transform_6(%arg0: i32) -> (i32, i32) {
    %c0_i32 = arith.constant 0 : i32
    %c0_i32_0 = arith.constant 0 : i32
    %c0_i32_1 = arith.constant 0 : i32
    return %c0_i32, %c0_i32_0 : i32, i32
  }
  func.func @transform_7(%arg0: i32) -> (i32, i32) {
    %c0_i32 = arith.constant 0 : i32
    %c0_i32_0 = arith.constant 0 : i32
    return %arg0, %c0_i32 : i32, i32
  }
  func.func @transform_8(%arg0: i32) -> (i32, i32) {
    %c0_i32 = arith.constant 0 : i32
    %c0_i32_0 = arith.constant 0 : i32
    return %arg0, %c0_i32 : i32, i32
  }
  func.func @transform_9(%arg0: i32) -> (i32, i32) {
    %c0_i32 = arith.constant 0 : i32
    %c0_i32_0 = arith.constant 0 : i32
    return %arg0, %c0_i32 : i32, i32
  }
}

module attributes {stable_mosaic.version = 14 : i64} {
  func.func @_final_kernel(%arg0: i32, %arg1: memref<5000x16xf32, #tpu.memory_space<vmem>>, %arg2: memref<5000x16xf32, #tpu.memory_space<vmem>>, %arg3: memref<16x16xf32, #tpu.memory_space<vmem>>, %arg4: memref<8x16xf32, #tpu.memory_space<vmem>>) attributes {dimension_semantics = [#tpu.dimension_semantics<arbitrary>], iteration_bounds = array<i64: 20>, scalar_prefetch = 0 : i64, scratch_operands = 0 : i64, tpu.core_type = #tpu.core_type<tc>, window_params = [{transform_indices = @transform_0, window_bounds = array<i64: 5000, 16>}, {transform_indices = @transform_1, window_bounds = array<i64: 5000, 16>}, {pipeline_mode = #tpu.pipeline_mode<synchronous>, transform_indices = @transform_2, window_bounds = array<i64: 16, 16>}, {pipeline_mode = #tpu.pipeline_mode<synchronous>, transform_indices = @transform_3, window_bounds = array<i64: 8, 16>}]} {
    %get3A = arith.constant 0 : index
    %get3A_0 = arith.constant 0 : index
    %get3A_1 = vector.load %arg2[%get3A, %get3A_0] : memref<5000x16xf32, #tpu.memory_space<vmem>>, vector<5000x16xf32>
    %get3A_2 = arith.constant 0 : index
    %get3A_3 = arith.constant 0 : index
    %get3A_4 = vector.load %arg1[%get3A_2, %get3A_3] : memref<5000x16xf32, #tpu.memory_space<vmem>>, vector<5000x16xf32>
    %get3A_5 = arith.constant 0 : index
    %get3A_6 = arith.constant 0 : index
    %get3A_7 = vector.load %arg3[%get3A_5, %get3A_6] : memref<16x16xf32, #tpu.memory_space<vmem>>, vector<16x16xf32>
    %dot_general3A = arith.constant dense<0.000000e+00> : vector<5000x16xf32>
    %dot_general3A_8 = tpu.matmul %get3A_4, %get3A_7, %dot_general3A {dimension_numbers = #tpu.dot_dimension_numbers<[1], [0], [0], [1], [0, 0, 1, 1], [], []>, transpose_lhs_hint = false} : vector<5000x16xf32>, vector<16x16xf32>, vector<5000x16xf32> -> vector<5000x16xf32>
    %mul3A = arith.constant 0.230969876 : f32
    %mul3A_9 = vector.broadcast %mul3A : f32 to vector<5000x16xf32>
    %mul3A_10 = arith.mulf %dot_general3A_8, %mul3A_9 : vector<5000x16xf32>
    %add3A = arith.addf %get3A_1, %mul3A_10 : vector<5000x16xf32>
    %reduce_sum3A = arith.constant dense<0.000000e+00> : vector<16xf32>
    %reduce_sum3A_11 = vector.multi_reduction <add>, %add3A, %reduce_sum3A [0] : vector<5000x16xf32> to vector<16xf32>
    %mul3A_12 = arith.constant 0.00316227763 : f32
    %mul3A_13 = vector.broadcast %mul3A_12 : f32 to vector<16xf32>
    %mul3A_14 = arith.mulf %reduce_sum3A_11, %mul3A_13 : vector<16xf32>
    %broadcast_in_dim3A = vector.shape_cast %mul3A_14 : vector<16xf32> to vector<1x16xf32>
    %broadcast_in_dim3A_15 = arith.constant 0.000000e+00 : f32
    %broadcast_in_dim3A_16 = vector.broadcast %broadcast_in_dim3A_15 : f32 to vector<7x16xf32>
    %concatenate3A = tpu.concatenate %broadcast_in_dim3A, %broadcast_in_dim3A_16 in 0 : vector<1x16xf32>, vector<7x16xf32> -> vector<8x16xf32>
    %eq3A = arith.constant 0 : i32
    %eq3A_17 = arith.cmpi eq, %arg0, %eq3A : i32
    %convert_element_type3A = arith.extui %eq3A_17 : i1 to i32
    %cond3A = arith.constant 0 : i32
    %cond3A_18 = arith.cmpi ne, %convert_element_type3A, %cond3A : i32
    scf.if %cond3A_18 {
      %broadcast_in_dim3A_25 = arith.constant 0.000000e+00 : f32
      %broadcast_in_dim3A_26 = vector.broadcast %broadcast_in_dim3A_25 : f32 to vector<8x16xf32>
      %swap3A_27 = arith.constant 0 : index
      %swap3A_28 = arith.constant 0 : index
      %swap3A_29 = vector.load %arg4[%swap3A_27, %swap3A_28] : memref<8x16xf32, #tpu.memory_space<vmem>>, vector<8x16xf32>
      tpu.vector_store %arg4[%swap3A_27, %swap3A_28], %broadcast_in_dim3A_26 {strides = array<i32>} : memref<8x16xf32, #tpu.memory_space<vmem>>, vector<8x16xf32>,
    } else {
    }
    %get3A_19 = arith.constant 0 : index
    %get3A_20 = arith.constant 0 : index
    %get3A_21 = vector.load %arg4[%get3A_19, %get3A_20] : memref<8x16xf32, #tpu.memory_space<vmem>>, vector<8x16xf32>
    %add3A_22 = arith.addf %get3A_21, %concatenate3A : vector<8x16xf32>
    %swap3A = arith.constant 0 : index
    %swap3A_23 = arith.constant 0 : index
    %swap3A_24 = vector.load %arg4[%swap3A, %swap3A_23] : memref<8x16xf32, #tpu.memory_space<vmem>>, vector<8x16xf32>
    tpu.vector_store %arg4[%swap3A, %swap3A_23], %add3A_22 {strides = array<i32>} : memref<8x16xf32, #tpu.memory_space<vmem>>, vector<8x16xf32>,
    return
  }
  func.func @transform_0(%arg0: i32) -> (i32, i32) {
    %c0_i32 = arith.constant 0 : i32
    %c0_i32_0 = arith.constant 0 : i32
    return %arg0, %c0_i32 : i32, i32
  }
  func.func @transform_1(%arg0: i32) -> (i32, i32) {
    %c0_i32 = arith.constant 0 : i32
    %c0_i32_0 = arith.constant 0 : i32
    return %arg0, %c0_i32 : i32, i32
  }
  func.func @transform_2(%arg0: i32) -> (i32, i32) {
    %c0_i32 = arith.constant 0 : i32
    %c0_i32_0 = arith.constant 0 : i32
    %c0_i32_1 = arith.constant 0 : i32
    return %c0_i32, %c0_i32_0 : i32, i32
  }
  func.func @transform_3(%arg0: i32) -> (i32, i32) {
    %c0_i32 = arith.constant 0 : i32
    %c0_i32_0 = arith.constant 0 : i32
    %c0_i32_1 = arith.constant 0 : i32
    return %c0_i32, %c0_i32_0 : i32, i32
  }
}

</mosaic_0001>

<sc_bundles>
// kernel: closed_call.21.cloned.1.call-start
scs
__scs_entry_jumppad:
0x0: {  	(pc) =	sbr.rel $0x88, $3  }
0x1: {  	(tag) =	ssettag $0x0;
	lr =	simm.s32 $0x1  }
0x2: {  	[smem:$0x3F8B] =	sst lr;
	_ =	strace $0xD0000000  }
0x3: {  	_ = 	snop  }
0x4: {  	_ = 	snop  }
0x5: {  	_ = 	snop  }
0x6: {  	_ = 	snop  }
0x7: {  	_ = 	snop  }
__scs_overlays_trampoline_lowered:
0x8: {  	[smem:$0x3F9A] =	sst s0  }
0x9: {  	[smem:$0x3F9B] =	sst s1  }
0xa: {  	[smem:$0x3F9C] =	sst s2  }
0xb: {  	[smem:$0x3F9D] =	sst s3  }
0xc: {  	[smem:$0x3F9E] =	sst s4  }
0xd: {  	[smem:$0x3F9F] =	sst s5  }
0xe: {  	[smem:$0x3FA0] =	sst s6  }
0xf: {  	[smem:$0x3FA1] =	sst s7  }
0x10: {  	[smem:$0x3FA2] =	sst s8  }
0x11: {  	[smem:$0x3FA3] =	sst s9;
	s0 =	simm.s32 @!p0 $0x0  }
0x12: {  	s1 =	sld [smem:$0x3F89];
	s0 =	simm.s32 @p0 $0x1  }
0x13: {  	[smem:$0x3FA4] =	sst s0;
	s0 =	simm.s32 @!p1 $0x0  }
0x14: {  	s2 =	sld [smem:$0x3F88];
	s0 =	simm.s32 @p1 $0x1  }
0x15: {  	[smem:$0x3FA5] =	sst s0;
	s0 =	simm.s32 @!p2 $0x0  }
0x16: {  	s3 =	sld [smem:$0x3FDB];
	s0 =	simm.s32 @p2 $0x1  }
0x17: {  	s4 =	simm.s32 $0x1BF5;
	[smem:$0x3FA7] =	sst s0  }
0x18: {  	s0 =	sld [smem:$0x3F8A];
	_ =	swait.ge [sflag:s4], $0x0  }
0x19: {  	s7 =	sld [smem:$0x3F8B]  }
0x1a: {  	s8 =	sadd.s32 $0xFFFFE003, lr  }
0x1b: {  	s9 =	sadd.s32 $0xFFFFFEF7, lr;
	s5 =	simm.s32 $0xFFFFFFFF;
	p2 =	slt.u32 s8, $0xFFFFF086  }
0x1c: {  	p1 =	slt.u32 s9, $0xF7A;
	s5 =	simm.s32 @!p2 $0x0  }
0x1d: {  	s5 =	simm.s32 @p1 $0x1;
	p0 =	seq.s32 s7, s2  }
0x1e: {  	s7 =	smul.u32 @!p0 $0xF7A, s2;
	p2 =	seq.s32 @!p0 s5, $0x0  }
0x1f: {  	s9 =	smul.u32 $0xF7A, s1;
	s8 =	simm.s32 @!p0 $0x1BF5;
	p2 =	por !p2, p0  }
0x20: {  	[sflag:s8] =	ssyncset.s32 @!p0 $0xFFFFF086;
	s6 =	sadd.s32 @!p0 s3, s7;
	s7 =	simm.s32 @!p0 $0x108  }
0x21: {  	s3 =	sadd.s32 s3, s9;
	s6 =	sadd.s32 @!p0 $0x88, s6;
	s7 =	simm.s32 @p2 $0x1082  }
0x22: {  	[simem:s7], [sflag:s8] =	dma.local @!p0 [hbm:s6], $0xF7A  }
0x23: {  	s9 =	sor.u32 $0xD0000000, s2;
	s6 =	simm.s32 $0x108;
	_ =	swait.ge @!p0 [sflag:s8], $0x0  }
0x24: {  	s3 =	sadd.s32 $0x88, s3;
	s6 =	simm.s32 @!p1 $0x1082;
	[sflag:s4] =	ssyncset.s32 $0xFFFFF086  }
0x25: {  	[simem:s6], [sflag:s4] =	dma.local [hbm:s3], $0xF7A  }
0x26: {  	[smem:$0x3F8B] =	sst s1;
	(tag) =	ssettag s2;
	_ =	strace s9  }
0x27: {  	s1 =	sld [smem:$0x3F9B]  }
0x28: {  	s2 =	sld [smem:$0x3F9C]  }
0x29: {  	s4 =	sld [smem:$0x3F9E]  }
0x2a: {  	p0 =	seq.s32 s5, $0x0;
	s5 =	sld [smem:$0x3F9F]  }
0x2b: {  	s6 =	sld [smem:$0x3FA0]  }
0x2c: {  	s7 =	sld [smem:$0x3FA1]  }
0x2d: {  	s3 =	simm.s32 $0x108;
	s8 =	sld [smem:$0x3FA2]  }
0x2e: {  	s3 =	simm.s32 @!p0 $0x1082;
	s9 =	sld [smem:$0x3FA3]  }
0x2f: {  	lr =	sadd.s32 s0, s3;
	s0 =	sld [smem:$0x3F9A]  }
0x30: {  	s3 =	sld [smem:$0x3F9D]  }
0x31: {  	[smem:$0x3FA6] =	sst s10  }
0x32: {  	s10 =	sld [smem:$0x3FA4];
	_ =	sdelay $0x3  }
0x33: {  	p0 =	seq.s32 s10, $0x1;
	s10 =	sld [smem:$0x3FA6];
	_ =	sdelay $0x3  }
0x34: {  	[smem:$0x3FA6] =	sst s10  }
0x35: {  	s10 =	sld [smem:$0x3FA5];
	_ =	sdelay $0x3  }
0x36: {  	p1 =	seq.s32 s10, $0x1;
	s10 =	sld [smem:$0x3FA6];
	_ =	sdelay $0x3  }
0x37: {  	[smem:$0x3FA6] =	sst s10  }
0x38: {  	s10 =	sld [smem:$0x3FA7]  }
0x39: {  	_ = 	snop;
	(pc) =	sbr.ind lr, $3  }
0x3a: {  	_ = 	snop  }
0x3b: {  	_ = 	snop  }
0x3c: {  	p2 =	seq.s32 s10, $0x1;
	s10 =	sld [smem:$0x3FA6]  }
0x3d: {  	_ =	shalt  }
0x3e: {  	_ =	shalt  }
0x3f: {  	_ =	shalt  }
0x40: {  	_ =	shalt  }
0x41: {  	_ =	shalt  }
0x42: {  	_ =	shalt  }
0x43: {  	_ =	shalt  }
0x44: {  	_ =	shalt  }
0x45: {  	_ =	shalt  }
0x46: {  	_ =	shalt  }
0x47: {  	_ =	shalt  }
0x48: {  	_ =	shalt  }
0x49: {  	_ =	shalt  }
0x4a: {  	_ =	shalt  }
0x4b: {  	_ =	shalt  }
0x4c: {  	_ =	shalt  }
0x4d: {  	_ =	shalt  }
0x4e: {  	_ =	shalt  }
0x4f: {  	_ =	shalt  }
0x50: {  	_ =	shalt  }
0x51: {  	_ =	shalt  }
0x52: {  	_ =	shalt  }
0x53: {  	_ =	shalt  }
0x54: {  	_ =	shalt  }
0x55: {  	_ =	shalt  }
0x56: {  	_ =	shalt  }
0x57: {  	_ =	shalt  }
0x58: {  	_ =	shalt  }
0x59: {  	_ =	shalt  }
0x5a: {  	_ =	shalt  }
0x5b: {  	_ =	shalt  }
0x5c: {  	_ =	shalt  }
0x5d: {  	_ =	shalt  }
0x5e: {  	_ =	shalt  }
0x5f: {  	_ =	shalt  }
0x60: {  	_ =	shalt  }
0x61: {  	_ =	shalt  }
0x62: {  	_ =	shalt  }
0x63: {  	_ =	shalt  }
0x64: {  	_ =	shalt  }
0x65: {  	_ =	shalt  }
0x66: {  	_ =	shalt  }
0x67: {  	_ =	shalt  }
0x68: {  	_ =	shalt  }
0x69: {  	_ =	shalt  }
0x6a: {  	_ =	shalt  }
0x6b: {  	_ =	shalt  }
0x6c: {  	_ =	shalt  }
0x6d: {  	_ =	shalt  }
0x6e: {  	_ =	shalt  }
0x6f: {  	_ =	shalt  }
0x70: {  	_ =	shalt  }
0x71: {  	_ =	shalt  }
0x72: {  	_ =	shalt  }
0x73: {  	_ =	shalt  }
0x74: {  	_ =	shalt  }
0x75: {  	_ =	shalt  }
0x76: {  	_ =	shalt  }
0x77: {  	_ =	shalt  }
0x78: {  	_ =	shalt  }
0x79: {  	_ =	shalt  }
0x7a: {  	_ =	shalt  }
0x7b: {  	_ =	shalt  }
0x7c: {  	_ =	shalt  }
0x7d: {  	_ =	shalt  }
0x7e: {  	_ =	shalt  }
0x7f: {  	_ =	shalt  }
0x80: {  	_ =	shalt  }
0x81: {  	_ =	shalt  }
0x82: {  	_ =	shalt  }
0x83: {  	_ =	shalt  }
0x84: {  	_ =	shalt  }
0x85: {  	_ =	shalt  }
0x86: {  	_ =	shalt  }
0x87: {  	_ =	shalt  }
.Lfunc_end0:
.L_simem_size_0:
called_computation_lowered:
.L_overlay_start_0:
0x88: {  	s2 =	sld [smem:$0x3FD9]  }
0x89: {  	s3 =	sld [smem:$0x3FFE];
	_ =	sdelay $0x1  }
0x8a: {  	s1 =	srdreg.scid  }
0x8b: {  	s0 =	sand.u32 $0x1, s1  }
0x8c: {  	s16 =	sshll.u32 s0, $0xA;
	s2 =	sadd.s32 s3, s2  }
0x8d: {  	s2 =	sadd.s32 s2, s16  }
0x8e: {  	[smem:$0x3FB2] =	sst s2  }
0x8f: {  	_ = 	snop  }
0x90: {  	(tm) =	ssettm $0x1  }
0x91: {  	s17 =	sld [smem:$0x3FFB];
	_ =	sdelay $0x3  }
0x92: {  	_ =	strace s17  }
0x93: {  	s2 =	sld [smem:$0x3FFC];
	_ =	sdelay $0x3  }
0x94: {  	_ =	strace s2  }
0x95: {  	s2 =	sld [smem:$0x3FFD];
	_ =	sdelay $0x3  }
0x96: {  	_ =	strace s2  }
0x97: {  	_ =	strace $0x8FFFFFFF  }
0x98: {  	s18 =	sld [smem:$0x3FDB];
	_ =	sdelay $0x1  }
0x99: {  	s19 =	simm.s32 $_scs_section_size  }
0x9a: {  	s4 =	simm.s32 $_size__tile_overlayer_lowered;
	s5 =	simm.s32 $_tile_overlayer_lowered  }
0x9b: {  	s22 =	simm.s32 $0x1BFF;
	s21 =	sshll.u32 s5, $0x1;
	s2 =	sadd.s32 s19, s18  }
0x9c: {  	s6 =	simm.s32 $0x0;
	s20 =	sshll.u32 s4, $0x1;
	s4 =	sadd.s32 s21, s2  }
0x9d: {  	[timem:s6], [sflag:s22] =	dma.local [hbm:s4], s20  }
0x9e: {  	_ =	swait.ge [sflag:s22], s20  }
0x9f: {  	s3 =	ssub.s32 $0x0, s20;
	[sflag:s22] =	ssyncset.done $0x0  }
0xa0: {  	[sflag:s22] =	ssyncadd.s32 s3;
	_ =	sdelay $0x1  }
0xa1: {  	s23 =	simm.s32 $0x1B8B  }
0xa2: {  	_ =	swait.ge [sflag:s23], $0x1  }
0xa3: {  	[sflag:s23] =	ssyncset.done $0x0  }
0xa4: {  	s25 =	simm.s32 $0x1B8E;
	s24 =	sld [smem:$0x3FFE];
	[sflag:s23] =	ssyncadd.s32 $0xFFFFFFFF  }
0xa5: {  	s26 =	simm.s32 $execute0_lowered;
	[smem:$0x3FD2] =	sst s25  }
0xa6: {  	s4 =	sshll.u32 s26, $0x1;
	_ =	strace $0x80000046;
	[dreg:$0x1] =	wrdreg $0xFFFFFFFF  }
0xa7: {  	s28 =	simm.s32 $_size_execute0_lowered;
	s2 =	sadd.s32 s2, s4;
	[dreg:$0x0] =	wrdreg $0x0  }
0xa8: {  	s4 =	sshll.u32 s28, $0x1;
	[dreg:$0x2] =	wrdreg s2  }
0xa9: {  	[dreg:$0x3] =	wrdreg s4  }
0xaa: {  	[dreg:$0x4] =	wrdreg $0xC0  }
0xab: {  	_ =	task [dreg:s6], $0x5FFFF  }
0xac: {  	[dreg:$0x1] =	wrdreg $0xFFFFFFFF  }
0xad: {  	[dreg:$0x0] =	wrdreg $0x60  }
0xae: {  	[dreg:$0x2] =	wrdreg s24  }
0xaf: {  	[dreg:$0x3] =	wrdreg $0xD4000  }
0xb0: {  	[dreg:$0x4] =	wrdreg $0x9  }
0xb1: {  	_ =	task.clear_ibuf [dreg:s6], $0x5FFFF;
	_ =	strace $0x90000046  }
0xb2: {  	s29 =	simm.s32 $0x9;
	_ =	strace $0x80000048  }
0xb3: {  	_ =	swait.ge [sflag:s29], $0x1  }
0xb4: {  	[sflag:s29] =	ssyncadd.s32 $0xFFFFFFFF  }
0xb5: {  	_ =	strace $0x90000048  }
0xb6: {  	_ =	sfence  }
0xb7: {  	s30 =	sld [smem:$0x0];
	_ =	sdelay $0x2  }
0xb8: {  	s31 =	sshll.u32 s1, $0xD;
	s1 =	sshrl.u32 s1, $0x2  }
0xb9: {  	s3 =	sand.u32 $0x4000, s31;
	s1 =	sadd.s32 s1, s30  }
0xba: {  	s0 =	sor.u32 s3, s0;
	s1 =	sshll.u32 s1, $0x11  }
0xbb: {  	s0 =	sor.u32 s1, s0  }
0xbc: {  	s0 =	sadd.s32 $0x8F2B, s0  }
0xbd: {  	[sflag:s0] =	ssyncadd.remote.s32 $0x1  }
0xbe: {  	_ =	sfence.sel $0xFFFF  }
0xbf: {  	[dreg:$0x0] =	wrdreg $0xFFFFFFFF;
	(pc) =	sbr.abs _section_cstart, $3  }
0xc0: {  	[dreg:$0x1] =	wrdreg $0xFFFFFFFF  }
0xc1: {  	_ =	task.clear_ibuf [dreg:s6], $0x2FFFF;
	_ =	strace $0x9FFFFFFF  }
0xc2: {  	(tm) =	ssettm $0x7FFFFFFF  }
0xc3: {  	_ =	shalt  }
tec
execute0_lowered:
.L_overlay_start_1:
0x0: {  	(tag) =	ssettag $0x1  }
0x1: {  	s0 =	rddreg [dreg:$0x0]  }
0x2: {  	s1 =	rddreg [dreg:$0x1]  }
0x3: {  	s3 =	simm.s32 $0x0;
	s17 =	stileid.u32;
	s9 =	srdreg.scid  }
0x4: {  	s28 =	simm.s32 $0x400;
	s29 =	simm.s32 $0x6A00;
	s30 =	simm.s32 $0x6C00  }
0x5: {  	s31 =	simm.s32 $0x6E00;
	[smem:$0x7FF] =	sst s3;
	s4 =	sadd.s32 $0x5C0E00, s0  }
0x6: {  	s5 =	sadd.s32 $0x5A00, s0;
	s2 =	smul.u32 $0xC300, s17;
	s6 =	sadd.s32 $0x67C00, s0  }
0x7: {  	s7 =	sadd.s32 $0x55EC00, s0;
	s8 =	sadd.s32 $0x6C0E00, s0;
	s9 =	sand.u32 $0x1, s9  }
0x8: {  	s12 =	sadd.s32 $0x60A400, s0;
	s15 =	smul.u32 $0xC30, s17;
	s24 =	sshll.u32 s17, $0x6  }
0x9: {  	s16 =	smul.u32 $0x31000, s17;
	s26 =	sadd.s32 $0xC3000, s1;
	p0 =	sne.s32 s17, $0xF  }
0xa: {  	_ =	strace $0x80000047;
	s11 =	ssub.s32 $0x2, s9;
	s13 =	smul.u32 $0xC350, s9  }
0xb: {  	[dreg:$0x6] =	wrdreg s26;
	s9 =	smul.u32 $0xC3500, s9;
	s10 =	sshrl.u32 s2, $0x3  }
0xc: {  	s14 =	sshrl.u32 s11, $0x1;
	s2 =	sadd.s32 s2, s1;
	s10 =	sadd.s32 s10, s0  }
0xd: {  	s11 =	ssub.s32 s11, s14;
	[dreg:$0x3] =	wrdreg s2;
	s0 =	sadd.s32 $0x60A200, s0  }
0xe: {  	s14 =	sor.u32 $0x1C05, s24;
	s21 =	sadd.s32 s15, s13;
	[dreg:$0x7] =	wrdreg s0  }
0xf: {  	s15 =	simm.s32 $0x0;
	s25 =	sadd.s32 $0x5F1C00, s10;
	[dreg:$0x5] =	wrdreg s14  }
0x10: {  	s10 =	sshrl.u32 s16, $0x3;
	s26 =	smax.u32 s11, $0x1;
	[dreg:$0x4] =	wrdreg s25  }
0x11: {  	s2 =	sshll.u32 s21, $0x1;
	s18 =	sadd.s32 s5, s10;
	[dreg:$0x10] =	wrdreg s26  }
0x12: {  	s21 =	sor.u32 $0x400, s16;
	s19 =	sadd.s32 s6, s10;
	[dreg:$0x8] =	wrdreg s18  }
0x13: {  	s20 =	sadd.s32 s7, s10;
	s0 =	sor.u32 $0x40, s10;
	[dreg:$0x9] =	wrdreg s19  }
0x14: {  	s24 =	sadd.s32 s12, s2;
	s25 =	sshrl.u32 s9, $0x3;
	[dreg:$0xa] =	wrdreg s20  }
0x15: {  	s26 =	simm.s32 $0x200;
	s22 =	sadd.s32 s5, s0;
	[dreg:$0xe] =	wrdreg s24  }
0x16: {  	s2 =	simm.s32 $0x600;
	s23 =	sadd.s32 s6, s0;
	[dreg:$0xb] =	wrdreg s22  }
0x17: {  	s9 =	simm.s32 $0xA00;
	s0 =	sadd.s32 s7, s0;
	[dreg:$0xc] =	wrdreg s23  }
0x18: {  	s10 =	simm.s32 $0x2A00;
	s19 =	simm.s32 $0x4;
	[dreg:$0xd] =	wrdreg s0  }
0x19: {  	s0 =	sadd.s32 s12, s25;
	s22 =	sor.u32 $0x600, s16;
	s25 =	simm.s32 $0x5  }
0x1a: {  	s12 =	simm.s32 $0x3;
	s16 =	simm.s32 $0x2;
	s0 =	sadd.s32 $0x18600, s0  }
0x1b: {  	v0 =	vmov s13;
	s23 =	simm.s32 $0xB400;
	[dreg:$0xf] =	wrdreg s0;
	s0 =	simm.s32 $0x1  }
.LBB2_1:
0x1c: {  	[dreg:$0x11] =	wrdreg s15  }
0x1d: {  	s11 =	rddreg [dreg:$0x3]  }
0x1e: {  	s24 =	rddreg [dreg:$0x4];
	s13 =	sshrl.u32 s11, $0x3  }
0x1f: {  	[dreg:$0x12] =	wrdreg s13  }
0x20: {  	[spmem:s13], [sflag:s14] =	dma.local [hbm:s24], $0x1860  }
0x21: {  	_ =	swait.ge [sflag:s25], $0x1860  }
0x22: {  	s11 =	rddreg [dreg:$0x6]  }
0x23: {  	[sflag:s25] =	ssyncset.done $0x0;
	s13 =	sshrl.u32 @!p0 s11, $0x3;
	s11 =	rddreg [dreg:$0x7]  }
0x24: {  	[sflag:s25] =	ssyncadd.s32 $0xFFFFE7A0;
	[dreg:$0x13] =	wrdreg s13  }
0x25: {  	[spmem:s13], [sflag:s14] =	dma.local @!p0 [hbm:s11], $0xA0  }
0x26: {  	s11 =	simm.s32 @!p0 $0x5  }
0x27: {  	_ =	swait.ge @!p0 [sflag:s11], $0xA0  }
0x28: {  	[sflag:s11] =	ssyncset.done @!p0 $0x0  }
0x29: {  	[sflag:s11] =	ssyncadd.s32 @!p0 $0xFFFFFF60  }
0x2a: {  	[bflag:$0x0] =	sbarrier.arrive $0xFFFF  }
0x2b: {  	s14 =	rddreg [dreg:$0x8]  }
0x2c: {  	[tilespmem:s3], [sflag:$0x1] =	stream.linear.gather [hbm4b:s14+s3], $0x200, $0x38;
	[tilespmem:$0x19750] =	vst v63  }
0x2d: {  	s15 =	rddreg [dreg:$0x9]  }
0x2e: {  	[tilespmem:s26], [sflag:$0x1] =	stream.linear.gather [hbm4b:s15+s3], $0x200, $0x38;
	[tilespmem:$0x19750] =	vst v63  }
0x2f: {  	s17 =	rddreg [dreg:$0xa]  }
0x30: {  	[tilespmem:s28], [sflag:$0x1] =	stream.linear.gather [hbm4b:s17+s3], $0x200, $0x38;
	[tilespmem:$0x19750] =	vst v63  }
0x31: {  	s18 =	rddreg [dreg:$0xb]  }
0x32: {  	[tilespmem:s29], [sflag:$0x3] =	stream.linear.gather [hbm4b:s18+s3], $0x200, $0x38;
	[tilespmem:$0x19750] =	vst v63  }
0x33: {  	s20 =	rddreg [dreg:$0xc]  }
0x34: {  	[tilespmem:s30], [sflag:$0x3] =	stream.linear.gather [hbm4b:s20+s3], $0x200, $0x38;
	[tilespmem:$0x19750] =	vst v63  }
0x35: {  	s24 =	rddreg [dreg:$0xd]  }
0x36: {  	[tilespmem:s31], [sflag:$0x3] =	stream.linear.gather [hbm4b:s24+s3], $0x200, $0x38;
	[tilespmem:$0x19750] =	vst v63  }
0x37: {  	_ =	swait.ge [sflag:s0], $0x200  }
0x38: {  	[sflag:s0] =	ssyncset.done $0x0  }
0x39: {  	[sflag:s0] =	ssyncadd.s32 $0xFFFFFE00  }
0x3a: {  	_ =	swait.ge [sflag:s0], $0x200  }
0x3b: {  	[sflag:s0] =	ssyncset.done $0x0  }
0x3c: {  	[sflag:s0] =	ssyncadd.s32 $0xFFFFFE00  }
0x3d: {  	_ =	swait.ge [sflag:s0], $0x200  }
0x3e: {  	[sflag:s0] =	ssyncset.done $0x0  }
0x3f: {  	s11 =	simm.s32 $0x420;
	[sflag:s0] =	ssyncadd.s32 $0xFFFFFE00  }
0x40: {  	v1 =	vld [tilespmem:s11+$0xFFFFFFE0];
	_ =	sdelay $0x4  }
0x41: {  	v1 =	vmul.f32 $5.349795900e+03, v1  }
0x42: {  	s13 =	simm.s32 $0x220  }
0x43: {  	v2 =	vld [tilespmem:s13+$0xFFFFFFE0];
	v1 =	vadd.f32 $5.000000000e-01, v1;
	_ =	sdelay $0x1  }
0x44: {  	v1 =	vtrunc.f32 v1  }
0x45: {  	v1 =	vcvt.f32.s32 v1;
	_ =	sdelay $0x1  }
0x46: {  	v2 =	vsub.s32 v2, v0;
	vm0 =	vlt.s32 v1, $0xFFFF  }
0x47: {  	vm9 =	vlt.u32 v2, $0xC350;
	v1 =	vnsel vm0, $0xFFFF, v1  }
0x48: {  	s17 =	simm.s32 $0x620;
	v1 =	vnsel vm9, $0xFFFF, v1  }
0x49: {  	s14 =	simm.s32 $0x820;
	v2 =	vnsel vm9, $0x0, v2;
	[tilespmem:s17+$0xFFFFFFE0] =	vst v1  }
0x4a: {  	[tilespmem:s14+$0xFFFFFFE0] =	vst v2  }
0x4b: {  	v1 =	vld [tilespmem:s11+$0xFFFFFFF0];
	_ =	sdelay $0x4  }
0x4c: {  	v1 =	vmul.f32 $5.349795900e+03, v1;
	_ =	sdelay $0x1  }
0x4d: {  	v2 =	vld [tilespmem:s13+$0xFFFFFFF0];
	v1 =	vadd.f32 $5.000000000e-01, v1;
	_ =	sdelay $0x1  }
0x4e: {  	v1 =	vtrunc.f32 v1  }
0x4f: {  	v1 =	vcvt.f32.s32 v1;
	_ =	sdelay $0x1  }
0x50: {  	v2 =	vsub.s32 v2, v0;
	vm10 =	vlt.s32 v1, $0xFFFF  }
0x51: {  	vm11 =	vlt.u32 v2, $0xC350;
	v1 =	vnsel vm10, $0xFFFF, v1  }
0x52: {  	v1 =	vnsel vm11, $0xFFFF, v1  }
0x53: {  	v2 =	vnsel vm11, $0x0, v2;
	[tilespmem:s17+$0xFFFFFFF0] =	vst v1  }
0x54: {  	[tilespmem:s14+$0xFFFFFFF0] =	vst v2  }
0x55: {  	v1 =	vld [tilespmem:s11+$0x0];
	_ =	sdelay $0x4  }
0x56: {  	v1 =	vmul.f32 $5.349795900e+03, v1;
	_ =	sdelay $0x1  }
0x57: {  	v2 =	vld [tilespmem:s13+$0x0];
	v1 =	vadd.f32 $5.000000000e-01, v1;
	_ =	sdelay $0x1  }
0x58: {  	v1 =	vtrunc.f32 v1  }
0x59: {  	v1 =	vcvt.f32.s32 v1;
	_ =	sdelay $0x1  }
0x5a: {  	v2 =	vsub.s32 v2, v0;
	vm12 =	vlt.s32 v1, $0xFFFF  }
0x5b: {  	vm13 =	vlt.u32 v2, $0xC350;
	v1 =	vnsel vm12, $0xFFFF, v1  }
0x5c: {  	v1 =	vnsel vm13, $0xFFFF, v1  }
0x5d: {  	v2 =	vnsel vm13, $0x0, v2;
	[tilespmem:s17+$0x0] =	vst v1  }
0x5e: {  	[tilespmem:s14+$0x0] =	vst v2  }
0x5f: {  	v1 =	vld [tilespmem:s11+$0x10];
	_ =	sdelay $0x4  }
0x60: {  	v1 =	vmul.f32 $5.349795900e+03, v1;
	_ =	sdelay $0x1  }
0x61: {  	v2 =	vld [tilespmem:s13+$0x10];
	v1 =	vadd.f32 $5.000000000e-01, v1;
	_ =	sdelay $0x1  }
0x62: {  	v1 =	vtrunc.f32 v1  }
0x63: {  	v1 =	vcvt.f32.s32 v1;
	_ =	sdelay $0x1  }
0x64: {  	v2 =	vsub.s32 v2, v0;
	vm14 =	vlt.s32 v1, $0xFFFF  }
0x65: {  	vm15 =	vlt.u32 v2, $0xC350;
	v1 =	vnsel vm14, $0xFFFF, v1  }
0x66: {  	v3 =	vnsel vm15, $0xFFFF, v1  }
0x67: {  	s15 =	simm.s32 $0x0;
	s18 =	simm.s32 $0x860;
	v1 =	vnsel vm15, $0x0, v2;
	[tilespmem:s17+$0x10] =	vst v3;
	s17 =	simm.s32 $0x660  }
.LBB2_2:
0x68: {  	s15 =	sadd.s32 $0x4, s15;
	[tilespmem:s14+$0x10] =	vst v1;
	s11 =	sadd.s32 $0x40, s11;
	s13 =	sadd.s32 $0x40, s13  }
0x69: {  	s14 =	smov.u32 s18;
	v1 =	vld [tilespmem:s11+$0xFFFFFFE0];
	p1 =	slt.u32 s15, $0x1C;
	_ =	sdelay $0x4  }
0x6a: {  	v1 =	vmul.f32 $5.349795900e+03, v1;
	_ =	sdelay $0x1  }
0x6b: {  	v1 =	vadd.f32 $5.000000000e-01, v1;
	v2 =	vld [tilespmem:s13+$0xFFFFFFE0];
	_ =	sdelay $0x1  }
0x6c: {  	v1 =	vtrunc.f32 v1  }
0x6d: {  	v1 =	vcvt.f32.s32 v1;
	_ =	sdelay $0x1  }
0x6e: {  	vm0 =	vlt.s32 v1, $0xFFFF;
	v2 =	vsub.s32 v2, v0  }
0x6f: {  	v1 =	vnsel vm0, $0xFFFF, v1;
	vm0 =	vlt.u32 v2, $0xC350  }
0x70: {  	v1 =	vnsel vm0, $0xFFFF, v1;
	v2 =	vnsel vm0, $0x0, v2  }
0x71: {  	[tilespmem:s17+$0xFFFFFFE0] =	vst v1  }
0x72: {  	[tilespmem:s18+$0xFFFFFFE0] =	vst v2  }
0x73: {  	v1 =	vld [tilespmem:s11+$0xFFFFFFF0];
	_ =	sdelay $0x4  }
0x74: {  	v1 =	vmul.f32 $5.349795900e+03, v1;
	_ =	sdelay $0x1  }
0x75: {  	v1 =	vadd.f32 $5.000000000e-01, v1;
	v2 =	vld [tilespmem:s13+$0xFFFFFFF0];
	_ =	sdelay $0x1  }
0x76: {  	v1 =	vtrunc.f32 v1  }
0x77: {  	v1 =	vcvt.f32.s32 v1;
	_ =	sdelay $0x1  }
0x78: {  	vm0 =	vlt.s32 v1, $0xFFFF;
	v2 =	vsub.s32 v2, v0  }
0x79: {  	v1 =	vnsel vm0, $0xFFFF, v1;
	vm0 =	vlt.u32 v2, $0xC350  }
0x7a: {  	v1 =	vnsel vm0, $0xFFFF, v1;
	v2 =	vnsel vm0, $0x0, v2  }
0x7b: {  	[tilespmem:s17+$0xFFFFFFF0] =	vst v1  }
0x7c: {  	[tilespmem:s18+$0xFFFFFFF0] =	vst v2  }
0x7d: {  	v1 =	vld [tilespmem:s11+$0x0];
	_ =	sdelay $0x4  }
0x7e: {  	v1 =	vmul.f32 $5.349795900e+03, v1;
	_ =	sdelay $0x1  }
0x7f: {  	v1 =	vadd.f32 $5.000000000e-01, v1;
	v2 =	vld [tilespmem:s13+$0x0];
	_ =	sdelay $0x1  }
0x80: {  	v1 =	vtrunc.f32 v1  }
0x81: {  	v1 =	vcvt.f32.s32 v1;
	_ =	sdelay $0x1  }
0x82: {  	vm0 =	vlt.s32 v1, $0xFFFF;
	v2 =	vsub.s32 v2, v0  }
0x83: {  	v1 =	vnsel vm0, $0xFFFF, v1;
	vm0 =	vlt.u32 v2, $0xC350  }
0x84: {  	v1 =	vnsel vm0, $0xFFFF, v1;
	v2 =	vnsel vm0, $0x0, v2  }
0x85: {  	[tilespmem:s17+$0x0] =	vst v1  }
0x86: {  	[tilespmem:s18+$0x0] =	vst v2  }
0x87: {  	v1 =	vld [tilespmem:s11+$0x10]  }
0x88: {  	v2 =	vld [tilespmem:s13+$0x10];
	_ =	sdelay $0x3  }
0x89: {  	v1 =	vmul.f32 $5.349795900e+03, v1  }
0x8a: {  	v2 =	vsub.s32 v2, v0  }
0x8b: {  	v1 =	vadd.f32 $5.000000000e-01, v1;
	_ =	sdelay $0x1  }
0x8c: {  	v1 =	vtrunc.f32 v1  }
0x8d: {  	v1 =	vcvt.f32.s32 v1  }
.Ltmp0:
0x8e: {  	(pc) =	sbr.rel @p1 .LBB2_2-.Ltmp0, $4  }
0x8f: {  	vm0 =	vlt.s32 v1, $0xFFFF  }
0x90: {  	v1 =	vnsel vm0, $0xFFFF, v1;
	vm0 =	vlt.u32 v2, $0xC350  }
0x91: {  	v3 =	vnsel vm0, $0xFFFF, v1;
	v1 =	vnsel vm0, $0x0, v2  }
0x92: {  	s18 =	sadd.s32 $0x40, s18;
	[tilespmem:s17+$0x10] =	vst v3;
	s17 =	sadd.s32 $0x40, s17  }
0x93: {  	[tilespmem:s14+$0x10] =	vst v1  }
0x94: {  	[tilespmem:s9], [sflag:$0x2] =	stream.indirect.gather [hbm4b:s8+s26], $0x10, s2, s26, $0xb8;
	[tilespmem:$0x19750] =	vst v63  }
0x95: {  	s11 =	simm.s32 $0x0  }
0x96: {  	[tilespmem:s10], [sflag:$0x2] =	stream.indirect.gather [hbm4b:s4+s26], $0x10, s11, s26, $0xb8;
	[tilespmem:$0x19750] =	vst v63  }
.LBB2_4:
0x97: {  	_ =	swait.ge [sflag:s12], $0x200  }
0x98: {  	[sflag:s12] =	ssyncset.done $0x0  }
0x99: {  	[sflag:s12] =	ssyncadd.s32 $0xFFFFFE00  }
0x9a: {  	_ =	swait.ge [sflag:s12], $0x200  }
0x9b: {  	[sflag:s12] =	ssyncset.done $0x0  }
0x9c: {  	[sflag:s12] =	ssyncadd.s32 $0xFFFFFE00  }
0x9d: {  	_ =	swait.ge [sflag:s12], $0x200  }
0x9e: {  	[sflag:s12] =	ssyncset.done $0x0  }
0x9f: {  	s24 =	simm.s32 $0x6E20;
	[sflag:s12] =	ssyncadd.s32 $0xFFFFFE00  }
0xa0: {  	v1 =	vld [tilespmem:s24+$0xFFFFFFE0];
	_ =	sdelay $0x4  }
0xa1: {  	v1 =	vmul.f32 $5.349795900e+03, v1  }
0xa2: {  	s13 =	simm.s32 $0x6C20  }
0xa3: {  	v2 =	vld [tilespmem:s13+$0xFFFFFFE0];
	v1 =	vadd.f32 $5.000000000e-01, v1;
	_ =	sdelay $0x1  }
0xa4: {  	v1 =	vtrunc.f32 v1  }
0xa5: {  	v1 =	vcvt.f32.s32 v1;
	_ =	sdelay $0x1  }
0xa6: {  	v2 =	vsub.s32 v2, v0;
	vm0 =	vlt.s32 v1, $0xFFFF  }
0xa7: {  	vm9 =	vlt.u32 v2, $0xC350;
	v1 =	vnsel vm0, $0xFFFF, v1  }
0xa8: {  	s17 =	simm.s32 $0x7020;
	v1 =	vnsel vm9, $0xFFFF, v1  }
0xa9: {  	s14 =	simm.s32 $0x7220;
	v2 =	vnsel vm9, $0x0, v2;
	[tilespmem:s17+$0xFFFFFFE0] =	vst v1  }
0xaa: {  	[tilespmem:s14+$0xFFFFFFE0] =	vst v2  }
0xab: {  	v1 =	vld [tilespmem:s24+$0xFFFFFFF0];
	_ =	sdelay $0x4  }
0xac: {  	v1 =	vmul.f32 $5.349795900e+03, v1;
	_ =	sdelay $0x1  }
0xad: {  	v2 =	vld [tilespmem:s13+$0xFFFFFFF0];
	v1 =	vadd.f32 $5.000000000e-01, v1;
	_ =	sdelay $0x1  }
0xae: {  	v1 =	vtrunc.f32 v1  }
0xaf: {  	v1 =	vcvt.f32.s32 v1;
	_ =	sdelay $0x1  }
0xb0: {  	v2 =	vsub.s32 v2, v0;
	vm10 =	vlt.s32 v1, $0xFFFF  }
0xb1: {  	vm11 =	vlt.u32 v2, $0xC350;
	v1 =	vnsel vm10, $0xFFFF, v1  }
0xb2: {  	v1 =	vnsel vm11, $0xFFFF, v1  }
0xb3: {  	v2 =	vnsel vm11, $0x0, v2;
	[tilespmem:s17+$0xFFFFFFF0] =	vst v1  }
0xb4: {  	[tilespmem:s14+$0xFFFFFFF0] =	vst v2  }
0xb5: {  	v1 =	vld [tilespmem:s24+$0x0];
	_ =	sdelay $0x4  }
0xb6: {  	v1 =	vmul.f32 $5.349795900e+03, v1;
	_ =	sdelay $0x1  }
0xb7: {  	v2 =	vld [tilespmem:s13+$0x0];
	v1 =	vadd.f32 $5.000000000e-01, v1;
	_ =	sdelay $0x1  }
0xb8: {  	v1 =	vtrunc.f32 v1  }
0xb9: {  	v1 =	vcvt.f32.s32 v1;
	_ =	sdelay $0x1  }
0xba: {  	v2 =	vsub.s32 v2, v0;
	vm12 =	vlt.s32 v1, $0xFFFF  }
0xbb: {  	vm13 =	vlt.u32 v2, $0xC350;
	v1 =	vnsel vm12, $0xFFFF, v1  }
0xbc: {  	v1 =	vnsel vm13, $0xFFFF, v1  }
0xbd: {  	v2 =	vnsel vm13, $0x0, v2;
	[tilespmem:s17+$0x0] =	vst v1  }
0xbe: {  	[tilespmem:s14+$0x0] =	vst v2  }
0xbf: {  	v1 =	vld [tilespmem:s24+$0x10];
	_ =	sdelay $0x4  }
0xc0: {  	v1 =	vmul.f32 $5.349795900e+03, v1;
	_ =	sdelay $0x1  }
0xc1: {  	v2 =	vld [tilespmem:s13+$0x10];
	v1 =	vadd.f32 $5.000000000e-01, v1;
	_ =	sdelay $0x1  }
0xc2: {  	v1 =	vtrunc.f32 v1  }
0xc3: {  	v1 =	vcvt.f32.s32 v1;
	_ =	sdelay $0x1  }
0xc4: {  	v2 =	vsub.s32 v2, v0;
	vm14 =	vlt.s32 v1, $0xFFFF  }
0xc5: {  	vm15 =	vlt.u32 v2, $0xC350;
	v1 =	vnsel vm14, $0xFFFF, v1  }
0xc6: {  	v3 =	vnsel vm15, $0xFFFF, v1  }
0xc7: {  	s15 =	simm.s32 $0x0;
	s18 =	simm.s32 $0x7260;
	v1 =	vnsel vm15, $0x0, v2;
	[tilespmem:s17+$0x10] =	vst v3;
	s17 =	simm.s32 $0x7060  }
.LBB2_5:
0xc8: {  	s15 =	sadd.s32 $0x4, s15;
	[tilespmem:s14+$0x10] =	vst v1;
	s24 =	sadd.s32 $0x40, s24;
	s13 =	sadd.s32 $0x40, s13  }
0xc9: {  	s14 =	smov.u32 s18;
	v1 =	vld [tilespmem:s24+$0xFFFFFFE0];
	p1 =	slt.u32 s15, $0x1C;
	_ =	sdelay $0x4  }
0xca: {  	v1 =	vmul.f32 $5.349795900e+03, v1;
	_ =	sdelay $0x1  }
0xcb: {  	v1 =	vadd.f32 $5.000000000e-01, v1;
	v2 =	vld [tilespmem:s13+$0xFFFFFFE0];
	_ =	sdelay $0x1  }
0xcc: {  	v1 =	vtrunc.f32 v1  }
0xcd: {  	v1 =	vcvt.f32.s32 v1;
	_ =	sdelay $0x1  }
0xce: {  	vm0 =	vlt.s32 v1, $0xFFFF;
	v2 =	vsub.s32 v2, v0  }
0xcf: {  	v1 =	vnsel vm0, $0xFFFF, v1;
	vm0 =	vlt.u32 v2, $0xC350  }
0xd0: {  	v1 =	vnsel vm0, $0xFFFF, v1;
	v2 =	vnsel vm0, $0x0, v2  }
0xd1: {  	[tilespmem:s17+$0xFFFFFFE0] =	vst v1  }
0xd2: {  	[tilespmem:s18+$0xFFFFFFE0] =	vst v2  }
0xd3: {  	v1 =	vld [tilespmem:s24+$0xFFFFFFF0];
	_ =	sdelay $0x4  }
0xd4: {  	v1 =	vmul.f32 $5.349795900e+03, v1;
	_ =	sdelay $0x1  }
0xd5: {  	v1 =	vadd.f32 $5.000000000e-01, v1;
	v2 =	vld [tilespmem:s13+$0xFFFFFFF0];
	_ =	sdelay $0x1  }
0xd6: {  	v1 =	vtrunc.f32 v1  }
0xd7: {  	v1 =	vcvt.f32.s32 v1;
	_ =	sdelay $0x1  }
0xd8: {  	vm0 =	vlt.s32 v1, $0xFFFF;
	v2 =	vsub.s32 v2, v0  }
0xd9: {  	v1 =	vnsel vm0, $0xFFFF, v1;
	vm0 =	vlt.u32 v2, $0xC350  }
0xda: {  	v1 =	vnsel vm0, $0xFFFF, v1;
	v2 =	vnsel vm0, $0x0, v2  }
0xdb: {  	[tilespmem:s17+$0xFFFFFFF0] =	vst v1  }
0xdc: {  	[tilespmem:s18+$0xFFFFFFF0] =	vst v2  }
0xdd: {  	v1 =	vld [tilespmem:s24+$0x0];
	_ =	sdelay $0x4  }
0xde: {  	v1 =	vmul.f32 $5.349795900e+03, v1;
	_ =	sdelay $0x1  }
0xdf: {  	v1 =	vadd.f32 $5.000000000e-01, v1;
	v2 =	vld [tilespmem:s13+$0x0];
	_ =	sdelay $0x1  }
0xe0: {  	v1 =	vtrunc.f32 v1  }
0xe1: {  	v1 =	vcvt.f32.s32 v1;
	_ =	sdelay $0x1  }
0xe2: {  	vm0 =	vlt.s32 v1, $0xFFFF;
	v2 =	vsub.s32 v2, v0  }
0xe3: {  	v1 =	vnsel vm0, $0xFFFF, v1;
	vm0 =	vlt.u32 v2, $0xC350  }
0xe4: {  	v1 =	vnsel vm0, $0xFFFF, v1;
	v2 =	vnsel vm0, $0x0, v2  }
0xe5: {  	[tilespmem:s17+$0x0] =	vst v1  }
0xe6: {  	[tilespmem:s18+$0x0] =	vst v2  }
0xe7: {  	v1 =	vld [tilespmem:s24+$0x10]  }
0xe8: {  	v2 =	vld [tilespmem:s13+$0x10];
	_ =	sdelay $0x3  }
0xe9: {  	v1 =	vmul.f32 $5.349795900e+03, v1  }
0xea: {  	v2 =	vsub.s32 v2, v0  }
0xeb: {  	v1 =	vadd.f32 $5.000000000e-01, v1;
	_ =	sdelay $0x1  }
0xec: {  	v1 =	vtrunc.f32 v1  }
0xed: {  	v1 =	vcvt.f32.s32 v1  }
.Ltmp1:
0xee: {  	(pc) =	sbr.rel @p1 .LBB2_5-.Ltmp1, $4  }
0xef: {  	vm0 =	vlt.s32 v1, $0xFFFF  }
0xf0: {  	v1 =	vnsel vm0, $0xFFFF, v1;
	vm0 =	vlt.u32 v2, $0xC350  }
0xf1: {  	v3 =	vnsel vm0, $0xFFFF, v1;
	v1 =	vnsel vm0, $0x0, v2  }
0xf2: {  	s18 =	sadd.s32 $0x40, s18;
	[tilespmem:s17+$0x10] =	vst v3;
	s17 =	sadd.s32 $0x40, s17  }
0xf3: {  	[tilespmem:s14+$0x10] =	vst v1;
	s13 =	simm.s32 $0x7000;
	s24 =	simm.s32 $0x7400  }
0xf4: {  	[tilespmem:s24], [sflag:$0x4] =	stream.indirect.gather [hbm4b:s8+s26], $0x10, s13, s26, $0xb8;
	[tilespmem:$0x19750] =	vst v63  }
0xf5: {  	s15 =	simm.s32 $0x9400  }
0xf6: {  	[tilespmem:s15], [sflag:$0x4] =	stream.indirect.gather [hbm4b:s4+s26], $0x10, s29, s26, $0xb8;
	[tilespmem:$0x19750] =	vst v63  }
0xf7: {  	_ =	swait.ge [sflag:s16], $0x2000  }
0xf8: {  	[sflag:s16] =	ssyncset.done $0x0  }
0xf9: {  	s24 =	sshll.u32 s11, $0xA;
	[sflag:s16] =	ssyncadd.s32 $0xFFFFE000  }
0xfa: {  	s17 =	sadd.s32 s24, s21;
	_ =	swait.ge [sflag:s16], $0x2000  }
0xfb: {  	s13 =	sshrl.u32 s17, $0x3;
	[sflag:s16] =	ssyncset.done $0x0  }
0xfc: {  	s18 =	sadd.s32 s5, s13;
	[sflag:s16] =	ssyncadd.s32 $0xFFFFE000  }
0xfd: {  	[tilespmem:s3], [sflag:$0x1] =	stream.linear.gather [hbm4b:s18+s3], $0x200, $0x38;
	[tilespmem:$0x19750] =	vst v63  }
0xfe: {  	s20 =	sadd.s32 s6, s13  }
0xff: {  	[tilespmem:s26], [sflag:$0x1] =	stream.linear.gather [hbm4b:s20+s3], $0x200, $0x38;
	[tilespmem:$0x19750] =	vst v63  }
0x100: {  	s17 =	simm.s32 $0xA40;
	s13 =	sadd.s32 s7, s13  }
0x101: {  	[tilespmem:s28], [sflag:$0x1] =	stream.linear.gather [hbm4b:s13+s3], $0x200, $0x38;
	[tilespmem:$0x19750] =	vst v63  }
0x102: {  	s13 =	simm.s32 $0x2A40;
	v1 =	vld [tilespmem:s17+$0xFFFFFFC0]  }
0x103: {  	v2 =	vld [tilespmem:s13+$0xFFFFFFC0];
	_ =	sdelay $0x4  }
0x104: {  	v1 =	vmul.f32 v2, v1  }
0x105: {  	s14 =	simm.s32 $0x4A40  }
0x106: {  	[tilespmem:s14+$0xFFFFFFC0] =	vst v1  }
0x107: {  	v1 =	vld [tilespmem:s13+$0xFFFFFFD0]  }
0x108: {  	v2 =	vld [tilespmem:s17+$0xFFFFFFD0];
	_ =	sdelay $0x4  }
0x109: {  	v1 =	vmul.f32 v1, v2;
	_ =	sdelay $0x1  }
0x10a: {  	[tilespmem:s14+$0xFFFFFFD0] =	vst v1  }
0x10b: {  	v1 =	vld [tilespmem:s17+$0xFFFFFFE0]  }
0x10c: {  	v2 =	vld [tilespmem:s13+$0xFFFFFFE0];
	_ =	sdelay $0x4  }
0x10d: {  	v1 =	vmul.f32 v2, v1;
	_ =	sdelay $0x1  }
0x10e: {  	[tilespmem:s14+$0xFFFFFFE0] =	vst v1  }
0x10f: {  	v1 =	vld [tilespmem:s17+$0xFFFFFFF0]  }
0x110: {  	v2 =	vld [tilespmem:s13+$0xFFFFFFF0];
	_ =	sdelay $0x4  }
0x111: {  	v1 =	vmul.f32 v2, v1;
	_ =	sdelay $0x1  }
0x112: {  	[tilespmem:s14+$0xFFFFFFF0] =	vst v1  }
0x113: {  	v1 =	vld [tilespmem:s17+$0x0]  }
0x114: {  	v2 =	vld [tilespmem:s13+$0x0];
	_ =	sdelay $0x4  }
0x115: {  	v1 =	vmul.f32 v2, v1;
	_ =	sdelay $0x1  }
0x116: {  	[tilespmem:s14+$0x0] =	vst v1  }
0x117: {  	v1 =	vld [tilespmem:s17+$0x10]  }
0x118: {  	v2 =	vld [tilespmem:s13+$0x10];
	_ =	sdelay $0x4  }
0x119: {  	v1 =	vmul.f32 v2, v1;
	_ =	sdelay $0x1  }
0x11a: {  	[tilespmem:s14+$0x10] =	vst v1  }
0x11b: {  	v1 =	vld [tilespmem:s17+$0x20]  }
0x11c: {  	v2 =	vld [tilespmem:s13+$0x20];
	_ =	sdelay $0x4  }
0x11d: {  	v1 =	vmul.f32 v2, v1;
	_ =	sdelay $0x1  }
0x11e: {  	[tilespmem:s14+$0x20] =	vst v1  }
0x11f: {  	s15 =	simm.s32 $0x0;
	s18 =	simm.s32 $0xAC0;
	v1 =	vld [tilespmem:s17+$0x30];
	s17 =	simm.s32 $0x4A40  }
.LBB2_7:
0x120: {  	s15 =	sadd.s32 $0x8, s15;
	v2 =	vld [tilespmem:s13+$0x30];
	s14 =	sadd.s32 $0x80, s14;
	s13 =	sadd.s32 $0x80, s13  }
0x121: {  	p1 =	slt.u32 s15, $0x1F8;
	_ =	sdelay $0x3  }
0x122: {  	v1 =	vmul.f32 v2, v1;
	_ =	sdelay $0x1  }
0x123: {  	[tilespmem:s17+$0x30] =	vst v1;
	s17 =	smov.u32 s14  }
0x124: {  	v1 =	vld [tilespmem:s18+$0xFFFFFFC0]  }
0x125: {  	v2 =	vld [tilespmem:s13+$0xFFFFFFC0];
	_ =	sdelay $0x4  }
0x126: {  	v1 =	vmul.f32 v2, v1;
	_ =	sdelay $0x1  }
0x127: {  	[tilespmem:s14+$0xFFFFFFC0] =	vst v1  }
0x128: {  	v1 =	vld [tilespmem:s13+$0xFFFFFFD0]  }
0x129: {  	v2 =	vld [tilespmem:s18+$0xFFFFFFD0];
	_ =	sdelay $0x4  }
0x12a: {  	v1 =	vmul.f32 v1, v2;
	_ =	sdelay $0x1  }
0x12b: {  	[tilespmem:s14+$0xFFFFFFD0] =	vst v1  }
0x12c: {  	v1 =	vld [tilespmem:s18+$0xFFFFFFE0]  }
0x12d: {  	v2 =	vld [tilespmem:s13+$0xFFFFFFE0];
	_ =	sdelay $0x4  }
0x12e: {  	v1 =	vmul.f32 v2, v1;
	_ =	sdelay $0x1  }
0x12f: {  	[tilespmem:s14+$0xFFFFFFE0] =	vst v1  }
0x130: {  	v1 =	vld [tilespmem:s18+$0xFFFFFFF0]  }
0x131: {  	v2 =	vld [tilespmem:s13+$0xFFFFFFF0];
	_ =	sdelay $0x4  }
0x132: {  	v1 =	vmul.f32 v2, v1;
	_ =	sdelay $0x1  }
0x133: {  	[tilespmem:s14+$0xFFFFFFF0] =	vst v1  }
0x134: {  	v1 =	vld [tilespmem:s18+$0x0]  }
0x135: {  	v2 =	vld [tilespmem:s13+$0x0];
	_ =	sdelay $0x4  }
0x136: {  	v1 =	vmul.f32 v2, v1;
	_ =	sdelay $0x1  }
0x137: {  	[tilespmem:s14+$0x0] =	vst v1  }
0x138: {  	v1 =	vld [tilespmem:s18+$0x10]  }
0x139: {  	v2 =	vld [tilespmem:s13+$0x10];
	_ =	sdelay $0x4  }
0x13a: {  	v1 =	vmul.f32 v2, v1;
	_ =	sdelay $0x1  }
0x13b: {  	[tilespmem:s14+$0x10] =	vst v1  }
0x13c: {  	v1 =	vld [tilespmem:s18+$0x20]  }
0x13d: {  	v2 =	vld [tilespmem:s13+$0x20];
	_ =	sdelay $0x3  }
.Ltmp2:
0x13e: {  	(pc) =	sbr.rel @p1 .LBB2_7-.Ltmp2, $3  }
0x13f: {  	v1 =	vmul.f32 v2, v1;
	_ =	sdelay $0x1  }
0x140: {  	[tilespmem:s14+$0x20] =	vst v1  }
0x141: {  	v1 =	vld [tilespmem:s18+$0x30];
	s18 =	sadd.s32 $0x80, s18  }
0x142: {  	v2 =	vld [tilespmem:s13+$0x30];
	_ =	sdelay $0x4  }
0x143: {  	v1 =	vmul.f32 v2, v1;
	_ =	sdelay $0x1  }
0x144: {  	s20 =	simm.s32 $0x800;
	s14 =	simm.s32 $0x4A00;
	[tilespmem:s17+$0x30] =	vst v1  }
0x145: {  	[spmem:s1] =	stream.indirect.scatter.add.f32 [tilespmem:s14], [sflag:$0x5], $0x10, s20, s26, $0xb8;
	[tilespmem:$0x19750] =	vst v63  }
0x146: {  	_ =	swait.ge [sflag:s25], $0x2000  }
0x147: {  	[sflag:s25] =	ssyncset.done $0x0  }
0x148: {  	[sflag:s25] =	ssyncadd.s32 $0xFFFFE000  }
0x149: {  	_ =	swait.ge [sflag:s0], $0x200  }
0x14a: {  	[sflag:s0] =	ssyncset.done $0x0  }
0x14b: {  	[sflag:s0] =	ssyncadd.s32 $0xFFFFFE00  }
0x14c: {  	_ =	swait.ge [sflag:s0], $0x200  }
0x14d: {  	[sflag:s0] =	ssyncset.done $0x0  }
0x14e: {  	[sflag:s0] =	ssyncadd.s32 $0xFFFFFE00  }
0x14f: {  	_ =	swait.ge [sflag:s0], $0x200  }
0x150: {  	[sflag:s0] =	ssyncset.done $0x0  }
0x151: {  	s13 =	simm.s32 $0x420;
	[sflag:s0] =	ssyncadd.s32 $0xFFFFFE00  }
0x152: {  	v1 =	vld [tilespmem:s13+$0xFFFFFFE0];
	_ =	sdelay $0x4  }
0x153: {  	v1 =	vmul.f32 $5.349795900e+03, v1  }
0x154: {  	s14 =	simm.s32 $0x220  }
0x155: {  	v2 =	vld [tilespmem:s14+$0xFFFFFFE0];
	v1 =	vadd.f32 $5.000000000e-01, v1;
	_ =	sdelay $0x1  }
0x156: {  	v1 =	vtrunc.f32 v1  }
0x157: {  	v1 =	vcvt.f32.s32 v1;
	_ =	sdelay $0x1  }
0x158: {  	v2 =	vsub.s32 v2, v0;
	vm0 =	vlt.s32 v1, $0xFFFF  }
0x159: {  	vm9 =	vlt.u32 v2, $0xC350;
	v1 =	vnsel vm0, $0xFFFF, v1  }
0x15a: {  	s18 =	simm.s32 $0x620;
	v1 =	vnsel vm9, $0xFFFF, v1  }
0x15b: {  	s15 =	simm.s32 $0x820;
	v2 =	vnsel vm9, $0x0, v2;
	[tilespmem:s18+$0xFFFFFFE0] =	vst v1  }
0x15c: {  	[tilespmem:s15+$0xFFFFFFE0] =	vst v2  }
0x15d: {  	v1 =	vld [tilespmem:s13+$0xFFFFFFF0];
	_ =	sdelay $0x4  }
0x15e: {  	v1 =	vmul.f32 $5.349795900e+03, v1;
	_ =	sdelay $0x1  }
0x15f: {  	v2 =	vld [tilespmem:s14+$0xFFFFFFF0];
	v1 =	vadd.f32 $5.000000000e-01, v1;
	_ =	sdelay $0x1  }
0x160: {  	v1 =	vtrunc.f32 v1  }
0x161: {  	v1 =	vcvt.f32.s32 v1;
	_ =	sdelay $0x1  }
0x162: {  	v2 =	vsub.s32 v2, v0;
	vm10 =	vlt.s32 v1, $0xFFFF  }
0x163: {  	vm11 =	vlt.u32 v2, $0xC350;
	v1 =	vnsel vm10, $0xFFFF, v1  }
0x164: {  	v1 =	vnsel vm11, $0xFFFF, v1  }
0x165: {  	v2 =	vnsel vm11, $0x0, v2;
	[tilespmem:s18+$0xFFFFFFF0] =	vst v1  }
0x166: {  	[tilespmem:s15+$0xFFFFFFF0] =	vst v2  }
0x167: {  	v1 =	vld [tilespmem:s13+$0x0];
	_ =	sdelay $0x4  }
0x168: {  	v1 =	vmul.f32 $5.349795900e+03, v1;
	_ =	sdelay $0x1  }
0x169: {  	v2 =	vld [tilespmem:s14+$0x0];
	v1 =	vadd.f32 $5.000000000e-01, v1;
	_ =	sdelay $0x1  }
0x16a: {  	v1 =	vtrunc.f32 v1  }
0x16b: {  	v1 =	vcvt.f32.s32 v1;
	_ =	sdelay $0x1  }
0x16c: {  	v2 =	vsub.s32 v2, v0;
	vm12 =	vlt.s32 v1, $0xFFFF  }
0x16d: {  	vm13 =	vlt.u32 v2, $0xC350;
	v1 =	vnsel vm12, $0xFFFF, v1  }
0x16e: {  	v1 =	vnsel vm13, $0xFFFF, v1  }
0x16f: {  	v2 =	vnsel vm13, $0x0, v2;
	[tilespmem:s18+$0x0] =	vst v1  }
0x170: {  	[tilespmem:s15+$0x0] =	vst v2  }
0x171: {  	v1 =	vld [tilespmem:s13+$0x10];
	_ =	sdelay $0x4  }
0x172: {  	v1 =	vmul.f32 $5.349795900e+03, v1;
	_ =	sdelay $0x1  }
0x173: {  	v2 =	vld [tilespmem:s14+$0x10];
	v1 =	vadd.f32 $5.000000000e-01, v1;
	_ =	sdelay $0x1  }
0x174: {  	v1 =	vtrunc.f32 v1  }
0x175: {  	v1 =	vcvt.f32.s32 v1;
	_ =	sdelay $0x1  }
0x176: {  	v2 =	vsub.s32 v2, v0;
	vm14 =	vlt.s32 v1, $0xFFFF  }
0x177: {  	vm15 =	vlt.u32 v2, $0xC350;
	v1 =	vnsel vm14, $0xFFFF, v1  }
0x178: {  	v3 =	vnsel vm15, $0xFFFF, v1  }
0x179: {  	s17 =	simm.s32 $0x0;
	s20 =	simm.s32 $0x860;
	v1 =	vnsel vm15, $0x0, v2;
	[tilespmem:s18+$0x10] =	vst v3;
	s18 =	simm.s32 $0x660  }
.LBB2_9:
0x17a: {  	s17 =	sadd.s32 $0x4, s17;
	[tilespmem:s15+$0x10] =	vst v1;
	s13 =	sadd.s32 $0x40, s13;
	s14 =	sadd.s32 $0x40, s14  }
0x17b: {  	s15 =	smov.u32 s20;
	v1 =	vld [tilespmem:s13+$0xFFFFFFE0];
	p1 =	slt.u32 s17, $0x1C;
	_ =	sdelay $0x4  }
0x17c: {  	v1 =	vmul.f32 $5.349795900e+03, v1;
	_ =	sdelay $0x1  }
0x17d: {  	v1 =	vadd.f32 $5.000000000e-01, v1;
	v2 =	vld [tilespmem:s14+$0xFFFFFFE0];
	_ =	sdelay $0x1  }
0x17e: {  	v1 =	vtrunc.f32 v1  }
0x17f: {  	v1 =	vcvt.f32.s32 v1;
	_ =	sdelay $0x1  }
0x180: {  	vm0 =	vlt.s32 v1, $0xFFFF;
	v2 =	vsub.s32 v2, v0  }
0x181: {  	v1 =	vnsel vm0, $0xFFFF, v1;
	vm0 =	vlt.u32 v2, $0xC350  }
0x182: {  	v1 =	vnsel vm0, $0xFFFF, v1;
	v2 =	vnsel vm0, $0x0, v2  }
0x183: {  	[tilespmem:s18+$0xFFFFFFE0] =	vst v1  }
0x184: {  	[tilespmem:s20+$0xFFFFFFE0] =	vst v2  }
0x185: {  	v1 =	vld [tilespmem:s13+$0xFFFFFFF0];
	_ =	sdelay $0x4  }
0x186: {  	v1 =	vmul.f32 $5.349795900e+03, v1;
	_ =	sdelay $0x1  }
0x187: {  	v1 =	vadd.f32 $5.000000000e-01, v1;
	v2 =	vld [tilespmem:s14+$0xFFFFFFF0];
	_ =	sdelay $0x1  }
0x188: {  	v1 =	vtrunc.f32 v1  }
0x189: {  	v1 =	vcvt.f32.s32 v1;
	_ =	sdelay $0x1  }
0x18a: {  	vm0 =	vlt.s32 v1, $0xFFFF;
	v2 =	vsub.s32 v2, v0  }
0x18b: {  	v1 =	vnsel vm0, $0xFFFF, v1;
	vm0 =	vlt.u32 v2, $0xC350  }
0x18c: {  	v1 =	vnsel vm0, $0xFFFF, v1;
	v2 =	vnsel vm0, $0x0, v2  }
0x18d: {  	[tilespmem:s18+$0xFFFFFFF0] =	vst v1  }
0x18e: {  	[tilespmem:s20+$0xFFFFFFF0] =	vst v2  }
0x18f: {  	v1 =	vld [tilespmem:s13+$0x0];
	_ =	sdelay $0x4  }
0x190: {  	v1 =	vmul.f32 $5.349795900e+03, v1;
	_ =	sdelay $0x1  }
0x191: {  	v1 =	vadd.f32 $5.000000000e-01, v1;
	v2 =	vld [tilespmem:s14+$0x0];
	_ =	sdelay $0x1  }
0x192: {  	v1 =	vtrunc.f32 v1  }
0x193: {  	v1 =	vcvt.f32.s32 v1;
	_ =	sdelay $0x1  }
0x194: {  	vm0 =	vlt.s32 v1, $0xFFFF;
	v2 =	vsub.s32 v2, v0  }
0x195: {  	v1 =	vnsel vm0, $0xFFFF, v1;
	vm0 =	vlt.u32 v2, $0xC350  }
0x196: {  	v1 =	vnsel vm0, $0xFFFF, v1;
	v2 =	vnsel vm0, $0x0, v2  }
0x197: {  	[tilespmem:s18+$0x0] =	vst v1  }
0x198: {  	[tilespmem:s20+$0x0] =	vst v2  }
0x199: {  	v1 =	vld [tilespmem:s13+$0x10]  }
0x19a: {  	v2 =	vld [tilespmem:s14+$0x10];
	_ =	sdelay $0x3  }
0x19b: {  	v1 =	vmul.f32 $5.349795900e+03, v1  }
0x19c: {  	v2 =	vsub.s32 v2, v0  }
0x19d: {  	v1 =	vadd.f32 $5.000000000e-01, v1;
	_ =	sdelay $0x1  }
0x19e: {  	v1 =	vtrunc.f32 v1  }
0x19f: {  	v1 =	vcvt.f32.s32 v1  }
.Ltmp3:
0x1a0: {  	(pc) =	sbr.rel @p1 .LBB2_9-.Ltmp3, $4  }
0x1a1: {  	vm0 =	vlt.s32 v1, $0xFFFF  }
0x1a2: {  	v1 =	vnsel vm0, $0xFFFF, v1;
	vm0 =	vlt.u32 v2, $0xC350  }
0x1a3: {  	v3 =	vnsel vm0, $0xFFFF, v1;
	v1 =	vnsel vm0, $0x0, v2  }
0x1a4: {  	s20 =	sadd.s32 $0x40, s20;
	[tilespmem:s18+$0x10] =	vst v3;
	s18 =	sadd.s32 $0x40, s18  }
0x1a5: {  	[tilespmem:s15+$0x10] =	vst v1  }
0x1a6: {  	[tilespmem:s9], [sflag:$0x2] =	stream.indirect.gather [hbm4b:s8+s26], $0x10, s2, s26, $0xb8;
	[tilespmem:$0x19750] =	vst v63  }
0x1a7: {  	_ = 	snop  }
0x1a8: {  	[tilespmem:s10], [sflag:$0x2] =	stream.indirect.gather [hbm4b:s4+s26], $0x10, s3, s26, $0xb8;
	[tilespmem:$0x19750] =	vst v63  }
0x1a9: {  	_ =	swait.ge [sflag:s19], $0x2000  }
0x1aa: {  	[sflag:s19] =	ssyncset.done $0x0  }
0x1ab: {  	[sflag:s19] =	ssyncadd.s32 $0xFFFFE000  }
0x1ac: {  	s13 =	sadd.s32 s24, s22;
	_ =	swait.ge [sflag:s19], $0x2000  }
0x1ad: {  	s13 =	sshrl.u32 s13, $0x3;
	[sflag:s19] =	ssyncset.done $0x0  }
0x1ae: {  	s14 =	sadd.s32 s5, s13;
	[sflag:s19] =	ssyncadd.s32 $0xFFFFE000  }
0x1af: {  	[tilespmem:s29], [sflag:$0x3] =	stream.linear.gather [hbm4b:s14+s3], $0x200, $0x38;
	[tilespmem:$0x19750] =	vst v63  }
0x1b0: {  	s24 =	sadd.s32 s6, s13  }
0x1b1: {  	[tilespmem:s30], [sflag:$0x3] =	stream.linear.gather [hbm4b:s24+s3], $0x200, $0x38;
	[tilespmem:$0x19750] =	vst v63  }
0x1b2: {  	s17 =	simm.s32 $0x7440;
	s13 =	sadd.s32 s7, s13  }
0x1b3: {  	[tilespmem:s31], [sflag:$0x3] =	stream.linear.gather [hbm4b:s13+s3], $0x200, $0x38;
	[tilespmem:$0x19750] =	vst v63  }
0x1b4: {  	s13 =	simm.s32 $0x9440;
	v1 =	vld [tilespmem:s17+$0xFFFFFFC0]  }
0x1b5: {  	v2 =	vld [tilespmem:s13+$0xFFFFFFC0];
	_ =	sdelay $0x4  }
0x1b6: {  	v1 =	vmul.f32 v2, v1  }
0x1b7: {  	s14 =	simm.s32 $0xB440  }
0x1b8: {  	[tilespmem:s14+$0xFFFFFFC0] =	vst v1  }
0x1b9: {  	v1 =	vld [tilespmem:s13+$0xFFFFFFD0]  }
0x1ba: {  	v2 =	vld [tilespmem:s17+$0xFFFFFFD0];
	_ =	sdelay $0x4  }
0x1bb: {  	v1 =	vmul.f32 v1, v2;
	_ =	sdelay $0x1  }
0x1bc: {  	[tilespmem:s14+$0xFFFFFFD0] =	vst v1  }
0x1bd: {  	v1 =	vld [tilespmem:s17+$0xFFFFFFE0]  }
0x1be: {  	v2 =	vld [tilespmem:s13+$0xFFFFFFE0];
	_ =	sdelay $0x4  }
0x1bf: {  	v1 =	vmul.f32 v2, v1;
	_ =	sdelay $0x1  }
0x1c0: {  	[tilespmem:s14+$0xFFFFFFE0] =	vst v1  }
0x1c1: {  	v1 =	vld [tilespmem:s17+$0xFFFFFFF0]  }
0x1c2: {  	v2 =	vld [tilespmem:s13+$0xFFFFFFF0];
	_ =	sdelay $0x4  }
0x1c3: {  	v1 =	vmul.f32 v2, v1;
	_ =	sdelay $0x1  }
0x1c4: {  	[tilespmem:s14+$0xFFFFFFF0] =	vst v1  }
0x1c5: {  	v1 =	vld [tilespmem:s17+$0x0]  }
0x1c6: {  	v2 =	vld [tilespmem:s13+$0x0];
	_ =	sdelay $0x4  }
0x1c7: {  	v1 =	vmul.f32 v2, v1;
	_ =	sdelay $0x1  }
0x1c8: {  	[tilespmem:s14+$0x0] =	vst v1  }
0x1c9: {  	v1 =	vld [tilespmem:s17+$0x10]  }
0x1ca: {  	v2 =	vld [tilespmem:s13+$0x10];
	_ =	sdelay $0x4  }
0x1cb: {  	v1 =	vmul.f32 v2, v1;
	_ =	sdelay $0x1  }
0x1cc: {  	[tilespmem:s14+$0x10] =	vst v1  }
0x1cd: {  	v1 =	vld [tilespmem:s17+$0x20]  }
0x1ce: {  	v2 =	vld [tilespmem:s13+$0x20];
	_ =	sdelay $0x4  }
0x1cf: {  	v1 =	vmul.f32 v2, v1;
	_ =	sdelay $0x1  }
0x1d0: {  	[tilespmem:s14+$0x20] =	vst v1  }
0x1d1: {  	s15 =	simm.s32 $0x0;
	s18 =	simm.s32 $0x74C0;
	v1 =	vld [tilespmem:s17+$0x30];
	s17 =	simm.s32 $0xB440  }
.LBB2_11:
0x1d2: {  	s15 =	sadd.s32 $0x8, s15;
	v2 =	vld [tilespmem:s13+$0x30];
	s14 =	sadd.s32 $0x80, s14;
	s13 =	sadd.s32 $0x80, s13  }
0x1d3: {  	p1 =	slt.u32 s15, $0x1F8;
	_ =	sdelay $0x3  }
0x1d4: {  	v1 =	vmul.f32 v2, v1;
	_ =	sdelay $0x1  }
0x1d5: {  	[tilespmem:s17+$0x30] =	vst v1;
	s17 =	smov.u32 s14  }
0x1d6: {  	v1 =	vld [tilespmem:s18+$0xFFFFFFC0]  }
0x1d7: {  	v2 =	vld [tilespmem:s13+$0xFFFFFFC0];
	_ =	sdelay $0x4  }
0x1d8: {  	v1 =	vmul.f32 v2, v1;
	_ =	sdelay $0x1  }
0x1d9: {  	[tilespmem:s14+$0xFFFFFFC0] =	vst v1  }
0x1da: {  	v1 =	vld [tilespmem:s13+$0xFFFFFFD0]  }
0x1db: {  	v2 =	vld [tilespmem:s18+$0xFFFFFFD0];
	_ =	sdelay $0x4  }
0x1dc: {  	v1 =	vmul.f32 v1, v2;
	_ =	sdelay $0x1  }
0x1dd: {  	[tilespmem:s14+$0xFFFFFFD0] =	vst v1  }
0x1de: {  	v1 =	vld [tilespmem:s18+$0xFFFFFFE0]  }
0x1df: {  	v2 =	vld [tilespmem:s13+$0xFFFFFFE0];
	_ =	sdelay $0x4  }
0x1e0: {  	v1 =	vmul.f32 v2, v1;
	_ =	sdelay $0x1  }
0x1e1: {  	[tilespmem:s14+$0xFFFFFFE0] =	vst v1  }
0x1e2: {  	v1 =	vld [tilespmem:s18+$0xFFFFFFF0]  }
0x1e3: {  	v2 =	vld [tilespmem:s13+$0xFFFFFFF0];
	_ =	sdelay $0x4  }
0x1e4: {  	v1 =	vmul.f32 v2, v1;
	_ =	sdelay $0x1  }
0x1e5: {  	[tilespmem:s14+$0xFFFFFFF0] =	vst v1  }
0x1e6: {  	v1 =	vld [tilespmem:s18+$0x0]  }
0x1e7: {  	v2 =	vld [tilespmem:s13+$0x0];
	_ =	sdelay $0x4  }
0x1e8: {  	v1 =	vmul.f32 v2, v1;
	_ =	sdelay $0x1  }
0x1e9: {  	[tilespmem:s14+$0x0] =	vst v1  }
0x1ea: {  	v1 =	vld [tilespmem:s18+$0x10]  }
0x1eb: {  	v2 =	vld [tilespmem:s13+$0x10];
	_ =	sdelay $0x4  }
0x1ec: {  	v1 =	vmul.f32 v2, v1;
	_ =	sdelay $0x1  }
0x1ed: {  	[tilespmem:s14+$0x10] =	vst v1  }
0x1ee: {  	v1 =	vld [tilespmem:s18+$0x20]  }
0x1ef: {  	v2 =	vld [tilespmem:s13+$0x20];
	_ =	sdelay $0x3  }
.Ltmp4:
0x1f0: {  	(pc) =	sbr.rel @p1 .LBB2_11-.Ltmp4, $3  }
0x1f1: {  	v1 =	vmul.f32 v2, v1;
	_ =	sdelay $0x1  }
0x1f2: {  	[tilespmem:s14+$0x20] =	vst v1  }
0x1f3: {  	v1 =	vld [tilespmem:s18+$0x30];
	s18 =	sadd.s32 $0x80, s18  }
0x1f4: {  	v2 =	vld [tilespmem:s13+$0x30];
	_ =	sdelay $0x4  }
0x1f5: {  	s11 =	sadd.s32 $0x1, s11;
	v1 =	vmul.f32 v2, v1  }
0x1f6: {  	p1 =	sne.s32 s11, $0xC4  }
.Ltmp5:
0x1f7: {  	s24 =	simm.s32 $0x7200;
	[tilespmem:s17+$0x30] =	vst v1;
	(pc) =	sbr.rel @p1 .LBB2_4-.Ltmp5, $4  }
0x1f8: {  	[spmem:s1] =	stream.indirect.scatter.add.f32 [tilespmem:s23], [sflag:$0x5], $0x10, s24, s26, $0xb8;
	[tilespmem:$0x19750] =	vst v63  }
0x1f9: {  	_ =	swait.ge [sflag:s25], $0x2000  }
0x1fa: {  	[sflag:s25] =	ssyncset.done $0x0  }
0x1fb: {  	[sflag:s25] =	ssyncadd.s32 $0xFFFFE000  }
0x1fc: {  	_ =	swait.ge [sflag:s16], $0x2000  }
0x1fd: {  	[sflag:s16] =	ssyncset.done $0x0  }
0x1fe: {  	[sflag:s16] =	ssyncadd.s32 $0xFFFFE000  }
0x1ff: {  	_ =	swait.ge [sflag:s16], $0x2000  }
0x200: {  	[sflag:s16] =	ssyncset.done $0x0  }
0x201: {  	[sflag:s16] =	ssyncadd.s32 $0xFFFFE000  }
0x202: {  	_ =	swait.ge [sflag:s12], $0x200  }
0x203: {  	[sflag:s12] =	ssyncset.done $0x0  }
0x204: {  	[sflag:s12] =	ssyncadd.s32 $0xFFFFFE00  }
0x205: {  	_ =	swait.ge [sflag:s12], $0x200  }
0x206: {  	[sflag:s12] =	ssyncset.done $0x0  }
0x207: {  	[sflag:s12] =	ssyncadd.s32 $0xFFFFFE00  }
0x208: {  	_ =	swait.ge [sflag:s12], $0x200  }
0x209: {  	[sflag:s12] =	ssyncset.done $0x0  }
0x20a: {  	[sflag:s12] =	ssyncadd.s32 $0xFFFFFE00  }
0x20b: {  	[bflag:$0x0] =	sbarrier.arrive $0xFFFF  }
0x20c: {  	s14 =	rddreg [dreg:$0x5]  }
0x20d: {  	s11 =	rddreg [dreg:$0xe]  }
0x20e: {  	s13 =	rddreg [dreg:$0x12]  }
0x20f: {  	[hbm:s11], [sflag:s14] =	dma.local [spmem:s13], $0x1860  }
0x210: {  	_ =	swait.ge [sflag:s25], $0x1860  }
0x211: {  	[sflag:s25] =	ssyncset.done $0x0;
	s11 =	rddreg [dreg:$0xf]  }
0x212: {  	s13 =	rddreg [dreg:$0x13];
	[sflag:s25] =	ssyncadd.s32 $0xFFFFE7A0  }
0x213: {  	[hbm:s11], [sflag:s14] =	dma.local @!p0 [spmem:s13], $0xA0  }
0x214: {  	s11 =	simm.s32 @!p0 $0x5  }
0x215: {  	_ =	swait.ge @!p0 [sflag:s11], $0xA0  }
0x216: {  	s15 =	rddreg [dreg:$0x11]  }
0x217: {  	s24 =	rddreg [dreg:$0x10];
	s15 =	sadd.s32 $0x1, s15  }
0x218: {  	p1 =	sne.s32 s15, s24  }
.Ltmp6:
0x219: {  	_ = 	snop;
	(pc) =	sbr.rel @p1 .LBB2_1-.Ltmp6, $3  }
0x21a: {  	_ =	sdelay $0x1  }
0x21b: {  	[sflag:s11] =	ssyncset.done @!p0 $0x0  }
0x21c: {  	[sflag:s11] =	ssyncadd.s32 @!p0 $0xFFFFFF60  }
0x21d: {  	_ =	sfence.sel $0x180000  }
0x21e: {  	[bflag:$0x0] =	sbarrier.arrive $0xFFFF  }
0x21f: {  	_ =	strace $0x90000047  }
0x220: {  	s0 =	stileid.u32;
	[bflag:$0x2] =	sbarrier.arrive $0xFFFF  }
0x221: {  	p0 =	sne.s32 s0, $0x0;
	s0 =	rddreg [dreg:$0x2]  }
0x222: {  	s0 =	sadd.s32 @!p0 $0x100000, s0  }
0x223: {  	[sflag:s0] =	ssyncadd.tile.s32 @!p0 $0x1;
	_ =	shalt  }
.Lfunc_end2:
_tile_overlayer_lowered:
.L_overlay_start_2:
0x224: {  	(tag) =	ssettag $0x2  }
0x225: {  	s0 =	rddreg [dreg:$0x0];
	s2 =	stileid.u32  }
0x226: {  	s1 =	rddreg [dreg:$0x1];
	p0 =	sne.s32 s2, $0x0  }
0x227: {  	s3 =	rddreg [dreg:$0x2];
	[bflag:$0x3] =	sbarrier.arrive $0xFFFF;
	s2 =	simm.s32 @!p0 $0x1C05  }
0x228: {  	[timem:s3], [sflag:s2] =	dma.local @!p0 [hbm:s0], s1  }
0x229: {  	s0 =	simm.s32 @!p0 $0x5  }
0x22a: {  	_ =	swait.ge @!p0 [sflag:s0], s1  }
0x22b: {  	s1 =	ssub.s32 @!p0 $0x0, s1;
	[sflag:s0] =	ssyncset.done @!p0 $0x0  }
0x22c: {  	[sflag:s0] =	ssyncadd.s32 @!p0 s1  }
0x22d: {  	[bflag:$0x3] =	sbarrier.arrive $0xFFFF  }
0x22e: {  	_ =	shalt  }

</sc_bundles>
